<compile_context>
chip_gen: v7x
topology: tpu7x:2x2x1
jax: 0.10.2.dev20260603
libtpu: 0.0.44.dev20260713+nightly
codegen_flags: <defaults>
</compile_context>

<pallas_src>
import functools

import jax
import jax.numpy as jnp
import numpy as np
from jax import lax
from jax.experimental import pallas as pl
from jax.experimental.pallas import tpu as pltpu
from jax.experimental.pallas import tpu_sc as plsc

_NUM_TILES = 32
_LANES = 16
_LANE_TILE = 128
_CH = 256

_ROT0 = (13, 15, 26, 6)
_ROT1 = (17, 29, 16, 24)


def _tf2x32(k1, k2, x1, x2):
    ks = [np.uint32(k1), np.uint32(k2),
          np.uint32(k1 ^ k2 ^ np.uint32(0x1BD11BDA))]
    x = [np.asarray(x1, np.uint32) + ks[0], np.asarray(x2, np.uint32) + ks[1]]

    def rounds(x, rots):
        for r in rots:
            x0 = x[0] + x[1]
            x1r = (x[1] << np.uint32(r)) | (x[1] >> np.uint32(32 - r))
            x = [x0, x0 ^ x1r]
        return x

    seq = ((_ROT0, 1, 2, 1), (_ROT1, 2, 0, 2), (_ROT0, 0, 1, 3),
           (_ROT1, 1, 2, 4), (_ROT0, 2, 0, 5))
    for rots, i0, i1, c in seq:
        x = rounds(x, rots)
        x = [x[0] + ks[i0], x[1] + ks[i1] + np.uint32(c)]
    return x[0], x[1]


def _split_key(k):
    b1, b2 = _tf2x32(k[0], k[1], np.zeros(2, np.uint32),
                     np.arange(2, dtype=np.uint32))
    return (b1[0], b2[0]), (b1[1], b2[1])


def _random_bits(k, n):
    b1, b2 = _tf2x32(k[0], k[1], np.zeros(n, np.uint32),
                     np.arange(n, dtype=np.uint32))
    return b1 ^ b2


def _randint(k, n, minval, maxval):
    k1, k2 = _split_key(k)
    hi, lo = _random_bits(k1, n), _random_bits(k2, n)
    span = np.uint32(maxval - minval)
    mult = np.uint32(np.uint32(2 ** 16) % span)
    mult = np.uint32((mult * mult) % span)
    off = ((hi % span) * mult + (lo % span)) % span
    return (np.int32(minval) + off.astype(np.int32)).astype(np.int32)


@functools.lru_cache(maxsize=None)
def _index_constants(b, l):
    max_window = l // 2
    key = (np.uint32(0), np.uint32(1))
    k1, k2 = _split_key(key)
    idx = _randint(k1, b, 0, l - max_window)
    offset = _randint(k2, b, 1, max_window)
    return idx, (idx + offset).astype(np.int32)


@functools.lru_cache(maxsize=None)
def _build_sc_fused(B, D, L):
    assert B == _NUM_TILES and D % _CH == 0
    n_chunks = D // _CH

    mesh = plsc.VectorSubcoreMesh(core_axis_name="c", subcore_axis_name="s")

    def body(xa_hbm, xb_hbm, cols_hbm, outa_hbm, outb_hbm,
             cols_v, buf0, buf1, obuf_a, obuf_b, sem):
        b = lax.axis_index("s") * 2 + lax.axis_index("c")

        pltpu.sync_copy(cols_hbm, cols_v)
        iota = lax.iota(jnp.int32, _LANES)
        bufs = (buf0, buf1)

        specs = []
        for base, x_hbm, obuf in ((0, xa_hbm, obuf_a), (B, xb_hbm, obuf_b)):
            col = cols_v[pl.ds(base + b, _LANES)][0]
            win = (col // _LANE_TILE) * _LANE_TILE
            lane_v = jnp.broadcast_to(col - win, (_LANES,))
            specs.append((x_hbm, win, lane_v, obuf))

        total = 2 * n_chunks

        def start(i):
            x_hbm, win, _, _ = specs[i // n_chunks]
            h = i % n_chunks
            return pltpu.async_copy(
                x_hbm.at[b, pl.ds(h * _CH, _CH), pl.ds(win, _LANE_TILE)],
                bufs[i % 2], sem)

        pending = start(0)
        for i in range(total):
            nxt = start(i + 1) if i + 1 < total else None
            pending.wait()
            buf = bufs[i % 2]
            _, _, lane_v, obuf = specs[i // n_chunks]
            h = i % n_chunks
            for j in range(_CH // _LANES):
                rows = j * _LANES + iota
                v = plsc.load_gather(buf, [rows, lane_v])
                obuf[pl.ds(h * _CH + j * _LANES, _LANES)] = v
            if nxt is not None:
                pending = nxt

        pltpu.sync_copy(obuf_a, outa_hbm.at[b])
        pltpu.sync_copy(obuf_b, outb_hbm.at[b])

    return pl.kernel(
        body,
        out_type=[jax.ShapeDtypeStruct((B, D), jnp.float32),
                  jax.ShapeDtypeStruct((B, D), jnp.float32)],
        mesh=mesh,
        compiler_params=pltpu.CompilerParams(needs_layout_passes=False),
        scratch_types=[
            pltpu.VMEM((2 * B + _LANES,), jnp.int32),
            pltpu.VMEM((_CH, _LANE_TILE), jnp.float32),
            pltpu.VMEM((_CH, _LANE_TILE), jnp.float32),
            pltpu.VMEM((D,), jnp.float32),
            pltpu.VMEM((D,), jnp.float32),
            pltpu.SemaphoreType.DMA,
        ],
    )


def kernel(x_a, x_b):
    b, d, l = x_a.shape
    cols_a, cols_b = _index_constants(b, l)
    pad = np.zeros((_LANES,), np.int32)
    cols = np.concatenate([cols_a, cols_b, pad]).astype(np.int32)

    out_a, out_b = _build_sc_fused(b, d, l)(x_a, x_b, jnp.asarray(cols))
    return (out_a, out_b)

# --- scband reference (transcript-rebuilt; emitter-appended) ---
"""Pipeline reference for scband-sequence-subsampler-45715631899428 (READ-ONLY COPY).

The authoritative reference and input builder live on the scoring server;
editing this copy changes nothing except your own understanding.
"""

import jax, jax.numpy as jnp
import numpy as np

B, D, L = 32, 1024, 2048

def setup_inputs(seed: int = 0) -> dict:
    key = jax.random.key(seed)
    k1, k2 = jax.random.split(key)
    x_a = jax.random.normal(k1, (B, D, L), dtype=jnp.float32)
    x_b = jax.random.normal(k2, (B, D, L), dtype=jnp.float32)
    return {"x_a": x_a, "x_b": x_b}

def reference(x_a, x_b):
    # training-mode branch of SequenceSubsampler (nn.Module default training=True)
    b, d, l = x_a.shape
    max_window = l // 2
    key = jax.random.key(1)
    k1, k2 = jax.random.split(key)
    idx = jax.random.randint(k1, (b,), 0, l - max_window)
    offset = jax.random.randint(k2, (b,), 1, max_window)
    batch = jnp.arange(b)
    out_a = x_a[batch, :, idx]            # [B, D] gather: one column per batch row
    out_b = x_b[batch, :, idx + offset]   # [B, D] gather with per-row offset
    return (out_a, out_b)

if __name__ == "__main__":
    import jax
    _d = setup_inputs()
    print(jax.jit(kernel)(*tuple(_d.values())))

</pallas_src>

<mosaic_0001>
#map = affine_map<(d0, d1) -> (0, 0, 0)>
#map1 = affine_map<(d0, d1) -> (0)>
#map2 = affine_map<(d0, d1) -> (0, 0)>
module attributes {stable_mosaic.version = 14 : i64} {
  func.func @body(%arg0: i32, %arg1: i32, %arg2: memref<32x1024x2048xf32, #tpu.memory_space<hbm>>, %arg3: memref<32x1024x2048xf32, #tpu.memory_space<hbm>>, %arg4: memref<80xi32, #tpu.memory_space<hbm>>, %arg5: memref<32x1024xf32, #tpu.memory_space<hbm>>, %arg6: memref<32x1024xf32, #tpu.memory_space<hbm>>, %arg7: memref<80xi32, #tpu.memory_space<vmem>>, %arg8: memref<256x128xf32, #tpu.memory_space<vmem>>, %arg9: memref<256x128xf32, #tpu.memory_space<vmem>>, %arg10: memref<1024xf32, #tpu.memory_space<vmem>>, %arg11: memref<1024xf32, #tpu.memory_space<vmem>>, %arg12: memref<!tpu.dma_semaphore, #tpu.memory_space<semaphore_mem>>) attributes {dimension_semantics = [#tpu.dimension_semantics<core_parallel>, #tpu.dimension_semantics<subcore_parallel>], iteration_bounds = array<i64: 2, 16>, scalar_prefetch = 0 : i64, scratch_operands = 6 : i64, tpu.core_type = #tpu.core_type<sc_vector_subcore>, window_params = [{transform_indices = #map}, {transform_indices = #map}, {transform_indices = #map1}, {transform_indices = #map2}, {transform_indices = #map2}]} {
    %mul3A = arith.constant 2 : i32
    %mul3A_0 = arith.muli %arg1, %mul3A : i32
    %add3A = arith.addi %mul3A_0, %arg0 : i32
    "tpu.region"() ({
      %run_scoped3A = tpu.sem_alloc : memref<!tpu.dma_semaphore, #tpu.memory_space<semaphore_mem>>
      tpu.enqueue_dma source(%arg4 : memref<80xi32, #tpu.memory_space<hbm>>) target(%arg7 : memref<80xi32, #tpu.memory_space<vmem>>) target_semaphore(%run_scoped3A : memref<!tpu.dma_semaphore, #tpu.memory_space<semaphore_mem>>)
      tpu.wait_dma2 semaphore(%run_scoped3A : memref<!tpu.dma_semaphore, #tpu.memory_space<semaphore_mem>>) src(%arg4 : memref<80xi32, #tpu.memory_space<hbm>>) dst(%arg7 : memref<80xi32, #tpu.memory_space<vmem>>)
      tpu.yield
    }) : () -> ()
    %iota3A = tpu.iota {dimensions = array<i32: 0>} : vector<16xi32>
    %add3A_1 = arith.constant 0 : i32
    %add3A_2 = arith.addi %add3A_1, %add3A : i32
    %get3A = arith.index_cast %add3A_2 : i32 to index
    %get3A_3 = tpu.vector_load %arg7[%get3A] {strides = array<i32>} : memref<80xi32, #tpu.memory_space<vmem>>, vector<16xi32>,
    %slice3A = vector.extract_strided_slice %get3A_3 {offsets = [0], sizes = [1], strides = [1]} : vector<16xi32> to vector<1xi32>
    %squeeze3A = vector.extract %slice3A[0] : i32 from vector<1xi32>
    %jit3A = arith.constant 128 : i32
    %div3A = arith.divsi %squeeze3A, %jit3A : i32
    %sign3A = arith.constant 0 : i32
    %sign3A_4 = arith.cmpi sgt, %squeeze3A, %sign3A : i32
    %sign3A_5 = arith.extui %sign3A_4 : i1 to i32
    %sign3A_6 = arith.constant 0 : i32
    %sign3A_7 = arith.cmpi slt, %squeeze3A, %sign3A_6 : i32
    %sign3A_8 = arith.extui %sign3A_7 : i1 to i32
    %sign3A_9 = arith.subi %sign3A_5, %sign3A_8 : i32
    %sign3A_10 = arith.constant 0 : i32
    %sign3A_11 = arith.cmpi sgt, %jit3A, %sign3A_10 : i32
    %sign3A_12 = arith.extui %sign3A_11 : i1 to i32
    %sign3A_13 = arith.constant 0 : i32
    %sign3A_14 = arith.cmpi slt, %jit3A, %sign3A_13 : i32
    %sign3A_15 = arith.extui %sign3A_14 : i1 to i32
    %sign3A_16 = arith.subi %sign3A_12, %sign3A_15 : i32
    %ne3A = arith.cmpi ne, %sign3A_9, %sign3A_16 : i32
    %rem3A = arith.remsi %squeeze3A, %jit3A : i32
    %ne3A_17 = arith.constant 0 : i32
    %ne3A_18 = arith.cmpi ne, %rem3A, %ne3A_17 : i32
    %and3A = arith.andi %ne3A, %ne3A_18 : i1
    %sub3A = arith.constant 1 : i32
    %sub3A_19 = arith.subi %div3A, %sub3A : i32
    %select_n3A = arith.select %and3A, %sub3A_19, %div3A : i32
    %mul3A_20 = arith.constant 128 : i32
    %mul3A_21 = arith.muli %select_n3A, %mul3A_20 : i32
    %sub3A_22 = arith.subi %squeeze3A, %mul3A_21 : i32
    %broadcast_in_dim3A = vector.broadcast %sub3A_22 : i32 to vector<16xi32>
    %add3A_23 = arith.constant 32 : i32
    %add3A_24 = arith.addi %add3A_23, %add3A : i32
    %get3A_25 = arith.index_cast %add3A_24 : i32 to index
    %get3A_26 = tpu.vector_load %arg7[%get3A_25] {strides = array<i32>} : memref<80xi32, #tpu.memory_space<vmem>>, vector<16xi32>,
    %slice3A_27 = vector.extract_strided_slice %get3A_26 {offsets = [0], sizes = [1], strides = [1]} : vector<16xi32> to vector<1xi32>
    %squeeze3A_28 = vector.extract %slice3A_27[0] : i32 from vector<1xi32>
    %jit3A_29 = arith.constant 128 : i32
    %div3A_30 = arith.divsi %squeeze3A_28, %jit3A_29 : i32
    %sign3A_31 = arith.constant 0 : i32
    %sign3A_32 = arith.cmpi sgt, %squeeze3A_28, %sign3A_31 : i32
    %sign3A_33 = arith.extui %sign3A_32 : i1 to i32
    %sign3A_34 = arith.constant 0 : i32
    %sign3A_35 = arith.cmpi slt, %squeeze3A_28, %sign3A_34 : i32
    %sign3A_36 = arith.extui %sign3A_35 : i1 to i32
    %sign3A_37 = arith.subi %sign3A_33, %sign3A_36 : i32
    %sign3A_38 = arith.constant 0 : i32
    %sign3A_39 = arith.cmpi sgt, %jit3A_29, %sign3A_38 : i32
    %sign3A_40 = arith.extui %sign3A_39 : i1 to i32
    %sign3A_41 = arith.constant 0 : i32
    %sign3A_42 = arith.cmpi slt, %jit3A_29, %sign3A_41 : i32
    %sign3A_43 = arith.extui %sign3A_42 : i1 to i32
    %sign3A_44 = arith.subi %sign3A_40, %sign3A_43 : i32
    %ne3A_45 = arith.cmpi ne, %sign3A_37, %sign3A_44 : i32
    %rem3A_46 = arith.remsi %squeeze3A_28, %jit3A_29 : i32
    %ne3A_47 = arith.constant 0 : i32
    %ne3A_48 = arith.cmpi ne, %rem3A_46, %ne3A_47 : i32
    %and3A_49 = arith.andi %ne3A_45, %ne3A_48 : i1
    %sub3A_50 = arith.constant 1 : i32
    %sub3A_51 = arith.subi %div3A_30, %sub3A_50 : i32
    %select_n3A_52 = arith.select %and3A_49, %sub3A_51, %div3A_30 : i32
    %mul3A_53 = arith.constant 128 : i32
    %mul3A_54 = arith.muli %select_n3A_52, %mul3A_53 : i32
    %sub3A_55 = arith.subi %squeeze3A_28, %mul3A_54 : i32
    %broadcast_in_dim3A_56 = vector.broadcast %sub3A_55 : i32 to vector<16xi32>
    %dma_start3A = arith.constant 0 : i32
    %dma_start3A_57 = tpu.memref_slice %arg2[%add3A, %dma_start3A, %mul3A_21] : memref<32x1024x2048xf32, #tpu.memory_space<hbm>> -> memref<1x256x128xf32, #tpu.memory_space<hbm>>
    %dma_start3A_58 = tpu.memref_squeeze %dma_start3A_57 : memref<1x256x128xf32, #tpu.memory_space<hbm>> -> memref<256x128xf32, #tpu.memory_space<hbm>>
    %dma_start3A_59 = arith.constant 0 : i32
    %dma_start3A_60 = tpu.memref_slice %arg2[%add3A, %dma_start3A_59, %mul3A_21] : memref<32x1024x2048xf32, #tpu.memory_space<hbm>> -> memref<1x256x128xf32, #tpu.memory_space<hbm>>
    %dma_start3A_61 = tpu.memref_squeeze %dma_start3A_60 : memref<1x256x128xf32, #tpu.memory_space<hbm>> -> memref<256x128xf32, #tpu.memory_space<hbm>>
    tpu.enqueue_dma source(%dma_start3A_61 : memref<256x128xf32, #tpu.memory_space<hbm>>) target(%arg8 : memref<256x128xf32, #tpu.memory_space<vmem>>) target_semaphore(%arg12 : memref<!tpu.dma_semaphore, #tpu.memory_space<semaphore_mem>>)
    %dma_start3A_62 = arith.constant 256 : i32
    %dma_start3A_63 = tpu.memref_slice %arg2[%add3A, %dma_start3A_62, %mul3A_21] : memref<32x1024x2048xf32, #tpu.memory_space<hbm>> -> memref<1x256x128xf32, #tpu.memory_space<hbm>>
    %dma_start3A_64 = tpu.memref_squeeze %dma_start3A_63 : memref<1x256x128xf32, #tpu.memory_space<hbm>> -> memref<256x128xf32, #tpu.memory_space<hbm>>
    %dma_start3A_65 = arith.constant 256 : i32
    %dma_start3A_66 = tpu.memref_slice %arg2[%add3A, %dma_start3A_65, %mul3A_21] : memref<32x1024x2048xf32, #tpu.memory_space<hbm>> -> memref<1x256x128xf32, #tpu.memory_space<hbm>>
    %dma_start3A_67 = tpu.memref_squeeze %dma_start3A_66 : memref<1x256x128xf32, #tpu.memory_space<hbm>> -> memref<256x128xf32, #tpu.memory_space<hbm>>
    tpu.enqueue_dma source(%dma_start3A_67 : memref<256x128xf32, #tpu.memory_space<hbm>>) target(%arg9 : memref<256x128xf32, #tpu.memory_space<vmem>>) target_semaphore(%arg12 : memref<!tpu.dma_semaphore, #tpu.memory_space<semaphore_mem>>)
    %dma_wait3A = arith.constant 0 : i32
    %dma_wait3A_68 = tpu.memref_slice %arg2[%add3A, %dma_wait3A, %mul3A_21] : memref<32x1024x2048xf32, #tpu.memory_space<hbm>> -> memref<1x256x128xf32, #tpu.memory_space<hbm>>
    %dma_wait3A_69 = tpu.memref_squeeze %dma_wait3A_68 : memref<1x256x128xf32, #tpu.memory_space<hbm>> -> memref<256x128xf32, #tpu.memory_space<hbm>>
    %dma_wait3A_70 = arith.constant 0 : i32
    %dma_wait3A_71 = tpu.memref_slice %arg2[%add3A, %dma_wait3A_70, %mul3A_21] : memref<32x1024x2048xf32, #tpu.memory_space<hbm>> -> memref<1x256x128xf32, #tpu.memory_space<hbm>>
    %dma_wait3A_72 = tpu.memref_squeeze %dma_wait3A_71 : memref<1x256x128xf32, #tpu.memory_space<hbm>> -> memref<256x128xf32, #tpu.memory_space<hbm>>
    tpu.wait_dma2 semaphore(%arg12 : memref<!tpu.dma_semaphore, #tpu.memory_space<semaphore_mem>>) src(%dma_wait3A_72 : memref<256x128xf32, #tpu.memory_space<hbm>>) dst(%arg8 : memref<256x128xf32, #tpu.memory_space<vmem>>)
    %add3A_73 = arith.constant 0 : i32
    %add3A_74 = vector.broadcast %add3A_73 : i32 to vector<16xi32>
    %add3A_75 = arith.addi %add3A_74, %iota3A : vector<16xi32>
    %gather3A = tpu.vector_load_idx %arg8[%add3A_75, %broadcast_in_dim3A] : memref<256x128xf32, #tpu.memory_space<vmem>>[vector<16xi32>, vector<16xi32>], vector<16xf32>,
    %swap3A = arith.constant 0 : index
    %swap3A_76 = tpu.vector_load %arg10[%swap3A] {strides = array<i32>} : memref<1024xf32, #tpu.memory_space<vmem>>, vector<16xf32>,
    tpu.vector_store %arg10[%swap3A], %gather3A {strides = array<i32>} : memref<1024xf32, #tpu.memory_space<vmem>>, vector<16xf32>,
    %add3A_77 = arith.constant 16 : i32
    %add3A_78 = vector.broadcast %add3A_77 : i32 to vector<16xi32>
    %add3A_79 = arith.addi %add3A_78, %iota3A : vector<16xi32>
    %gather3A_80 = tpu.vector_load_idx %arg8[%add3A_79, %broadcast_in_dim3A] : memref<256x128xf32, #tpu.memory_space<vmem>>[vector<16xi32>, vector<16xi32>], vector<16xf32>,
    %swap3A_81 = arith.constant 16 : index
    %swap3A_82 = tpu.vector_load %arg10[%swap3A_81] {strides = array<i32>} : memref<1024xf32, #tpu.memory_space<vmem>>, vector<16xf32>,
    tpu.vector_store %arg10[%swap3A_81], %gather3A_80 {strides = array<i32>} : memref<1024xf32, #tpu.memory_space<vmem>>, vector<16xf32>,
    %add3A_83 = arith.constant 32 : i32
    %add3A_84 = vector.broadcast %add3A_83 : i32 to vector<16xi32>
    %add3A_85 = arith.addi %add3A_84, %iota3A : vector<16xi32>
    %gather3A_86 = tpu.vector_load_idx %arg8[%add3A_85, %broadcast_in_dim3A] : memref<256x128xf32, #tpu.memory_space<vmem>>[vector<16xi32>, vector<16xi32>], vector<16xf32>,
    %swap3A_87 = arith.constant 32 : index
    %swap3A_88 = tpu.vector_load %arg10[%swap3A_87] {strides = array<i32>} : memref<1024xf32, #tpu.memory_space<vmem>>, vector<16xf32>,
    tpu.vector_store %arg10[%swap3A_87], %gather3A_86 {strides = array<i32>} : memref<1024xf32, #tpu.memory_space<vmem>>, vector<16xf32>,
    %add3A_89 = arith.constant 48 : i32
    %add3A_90 = vector.broadcast %add3A_89 : i32 to vector<16xi32>
    %add3A_91 = arith.addi %add3A_90, %iota3A : vector<16xi32>
    %gather3A_92 = tpu.vector_load_idx %arg8[%add3A_91, %broadcast_in_dim3A] : memref<256x128xf32, #tpu.memory_space<vmem>>[vector<16xi32>, vector<16xi32>], vector<16xf32>,
    %swap3A_93 = arith.constant 48 : index
    %swap3A_94 = tpu.vector_load %arg10[%swap3A_93] {strides = array<i32>} : memref<1024xf32, #tpu.memory_space<vmem>>, vector<16xf32>,
    tpu.vector_store %arg10[%swap3A_93], %gather3A_92 {strides = array<i32>} : memref<1024xf32, #tpu.memory_space<vmem>>, vector<16xf32>,
    %add3A_95 = arith.constant 64 : i32
    %add3A_96 = vector.broadcast %add3A_95 : i32 to vector<16xi32>
    %add3A_97 = arith.addi %add3A_96, %iota3A : vector<16xi32>
    %gather3A_98 = tpu.vector_load_idx %arg8[%add3A_97, %broadcast_in_dim3A] : memref<256x128xf32, #tpu.memory_space<vmem>>[vector<16xi32>, vector<16xi32>], vector<16xf32>,
    %swap3A_99 = arith.constant 64 : index
    %swap3A_100 = tpu.vector_load %arg10[%swap3A_99] {strides = array<i32>} : memref<1024xf32, #tpu.memory_space<vmem>>, vector<16xf32>,
    tpu.vector_store %arg10[%swap3A_99], %gather3A_98 {strides = array<i32>} : memref<1024xf32, #tpu.memory_space<vmem>>, vector<16xf32>,
    %add3A_101 = arith.constant 80 : i32
    %add3A_102 = vector.broadcast %add3A_101 : i32 to vector<16xi32>
    %add3A_103 = arith.addi %add3A_102, %iota3A : vector<16xi32>
    %gather3A_104 = tpu.vector_load_idx %arg8[%add3A_103, %broadcast_in_dim3A] : memref<256x128xf32, #tpu.memory_space<vmem>>[vector<16xi32>, vector<16xi32>], vector<16xf32>,
    %swap3A_105 = arith.constant 80 : index
    %swap3A_106 = tpu.vector_load %arg10[%swap3A_105] {strides = array<i32>} : memref<1024xf32, #tpu.memory_space<vmem>>, vector<16xf32>,
    tpu.vector_store %arg10[%swap3A_105], %gather3A_104 {strides = array<i32>} : memref<1024xf32, #tpu.memory_space<vmem>>, vector<16xf32>,
    %add3A_107 = arith.constant 96 : i32
    %add3A_108 = vector.broadcast %add3A_107 : i32 to vector<16xi32>
    %add3A_109 = arith.addi %add3A_108, %iota3A : vector<16xi32>
    %gather3A_110 = tpu.vector_load_idx %arg8[%add3A_109, %broadcast_in_dim3A] : memref<256x128xf32, #tpu.memory_space<vmem>>[vector<16xi32>, vector<16xi32>], vector<16xf32>,
    %swap3A_111 = arith.constant 96 : index
    %swap3A_112 = tpu.vector_load %arg10[%swap3A_111] {strides = array<i32>} : memref<1024xf32, #tpu.memory_space<vmem>>, vector<16xf32>,
    tpu.vector_store %arg10[%swap3A_111], %gather3A_110 {strides = array<i32>} : memref<1024xf32, #tpu.memory_space<vmem>>, vector<16xf32>,
    %add3A_113 = arith.constant 112 : i32
    %add3A_114 = vector.broadcast %add3A_113 : i32 to vector<16xi32>
    %add3A_115 = arith.addi %add3A_114, %iota3A : vector<16xi32>
    %gather3A_116 = tpu.vector_load_idx %arg8[%add3A_115, %broadcast_in_dim3A] : memref<256x128xf32, #tpu.memory_space<vmem>>[vector<16xi32>, vector<16xi32>], vector<16xf32>,
    %swap3A_117 = arith.constant 112 : index
    %swap3A_118 = tpu.vector_load %arg10[%swap3A_117] {strides = array<i32>} : memref<1024xf32, #tpu.memory_space<vmem>>, vector<16xf32>,
    tpu.vector_store %arg10[%swap3A_117], %gather3A_116 {strides = array<i32>} : memref<1024xf32, #tpu.memory_space<vmem>>, vector<16xf32>,
    %add3A_119 = arith.constant 128 : i32
    %add3A_120 = vector.broadcast %add3A_119 : i32 to vector<16xi32>
    %add3A_121 = arith.addi %add3A_120, %iota3A : vector<16xi32>
    %gather3A_122 = tpu.vector_load_idx %arg8[%add3A_121, %broadcast_in_dim3A] : memref<256x128xf32, #tpu.memory_space<vmem>>[vector<16xi32>, vector<16xi32>], vector<16xf32>,
    %swap3A_123 = arith.constant 128 : index
    %swap3A_124 = tpu.vector_load %arg10[%swap3A_123] {strides = array<i32>} : memref<1024xf32, #tpu.memory_space<vmem>>, vector<16xf32>,
    tpu.vector_store %arg10[%swap3A_123], %gather3A_122 {strides = array<i32>} : memref<1024xf32, #tpu.memory_space<vmem>>, vector<16xf32>,
    %add3A_125 = arith.constant 144 : i32
    %add3A_126 = vector.broadcast %add3A_125 : i32 to vector<16xi32>
    %add3A_127 = arith.addi %add3A_126, %iota3A : vector<16xi32>
    %gather3A_128 = tpu.vector_load_idx %arg8[%add3A_127, %broadcast_in_dim3A] : memref<256x128xf32, #tpu.memory_space<vmem>>[vector<16xi32>, vector<16xi32>], vector<16xf32>,
    %swap3A_129 = arith.constant 144 : index
    %swap3A_130 = tpu.vector_load %arg10[%swap3A_129] {strides = array<i32>} : memref<1024xf32, #tpu.memory_space<vmem>>, vector<16xf32>,
    tpu.vector_store %arg10[%swap3A_129], %gather3A_128 {strides = array<i32>} : memref<1024xf32, #tpu.memory_space<vmem>>, vector<16xf32>,
    %add3A_131 = arith.constant 160 : i32
    %add3A_132 = vector.broadcast %add3A_131 : i32 to vector<16xi32>
    %add3A_133 = arith.addi %add3A_132, %iota3A : vector<16xi32>
    %gather3A_134 = tpu.vector_load_idx %arg8[%add3A_133, %broadcast_in_dim3A] : memref<256x128xf32, #tpu.memory_space<vmem>>[vector<16xi32>, vector<16xi32>], vector<16xf32>,
    %swap3A_135 = arith.constant 160 : index
    %swap3A_136 = tpu.vector_load %arg10[%swap3A_135] {strides = array<i32>} : memref<1024xf32, #tpu.memory_space<vmem>>, vector<16xf32>,
    tpu.vector_store %arg10[%swap3A_135], %gather3A_134 {strides = array<i32>} : memref<1024xf32, #tpu.memory_space<vmem>>, vector<16xf32>,
    %add3A_137 = arith.constant 176 : i32
    %add3A_138 = vector.broadcast %add3A_137 : i32 to vector<16xi32>
    %add3A_139 = arith.addi %add3A_138, %iota3A : vector<16xi32>
    %gather3A_140 = tpu.vector_load_idx %arg8[%add3A_139, %broadcast_in_dim3A] : memref<256x128xf32, #tpu.memory_space<vmem>>[vector<16xi32>, vector<16xi32>], vector<16xf32>,
    %swap3A_141 = arith.constant 176 : index
    %swap3A_142 = tpu.vector_load %arg10[%swap3A_141] {strides = array<i32>} : memref<1024xf32, #tpu.memory_space<vmem>>, vector<16xf32>,
    tpu.vector_store %arg10[%swap3A_141], %gather3A_140 {strides = array<i32>} : memref<1024xf32, #tpu.memory_space<vmem>>, vector<16xf32>,
    %add3A_143 = arith.constant 192 : i32
    %add3A_144 = vector.broadcast %add3A_143 : i32 to vector<16xi32>
    %add3A_145 = arith.addi %add3A_144, %iota3A : vector<16xi32>
    %gather3A_146 = tpu.vector_load_idx %arg8[%add3A_145, %broadcast_in_dim3A] : memref<256x128xf32, #tpu.memory_space<vmem>>[vector<16xi32>, vector<16xi32>], vector<16xf32>,
    %swap3A_147 = arith.constant 192 : index
    %swap3A_148 = tpu.vector_load %arg10[%swap3A_147] {strides = array<i32>} : memref<1024xf32, #tpu.memory_space<vmem>>, vector<16xf32>,
    tpu.vector_store %arg10[%swap3A_147], %gather3A_146 {strides = array<i32>} : memref<1024xf32, #tpu.memory_space<vmem>>, vector<16xf32>,
    %add3A_149 = arith.constant 208 : i32
    %add3A_150 = vector.broadcast %add3A_149 : i32 to vector<16xi32>
    %add3A_151 = arith.addi %add3A_150, %iota3A : vector<16xi32>
    %gather3A_152 = tpu.vector_load_idx %arg8[%add3A_151, %broadcast_in_dim3A] : memref<256x128xf32, #tpu.memory_space<vmem>>[vector<16xi32>, vector<16xi32>], vector<16xf32>,
    %swap3A_153 = arith.constant 208 : index
    %swap3A_154 = tpu.vector_load %arg10[%swap3A_153] {strides = array<i32>} : memref<1024xf32, #tpu.memory_space<vmem>>, vector<16xf32>,
    tpu.vector_store %arg10[%swap3A_153], %gather3A_152 {strides = array<i32>} : memref<1024xf32, #tpu.memory_space<vmem>>, vector<16xf32>,
    %add3A_155 = arith.constant 224 : i32
    %add3A_156 = vector.broadcast %add3A_155 : i32 to vector<16xi32>
    %add3A_157 = arith.addi %add3A_156, %iota3A : vector<16xi32>
    %gather3A_158 = tpu.vector_load_idx %arg8[%add3A_157, %broadcast_in_dim3A] : memref<256x128xf32, #tpu.memory_space<vmem>>[vector<16xi32>, vector<16xi32>], vector<16xf32>,
    %swap3A_159 = arith.constant 224 : index
    %swap3A_160 = tpu.vector_load %arg10[%swap3A_159] {strides = array<i32>} : memref<1024xf32, #tpu.memory_space<vmem>>, vector<16xf32>,
    tpu.vector_store %arg10[%swap3A_159], %gather3A_158 {strides = array<i32>} : memref<1024xf32, #tpu.memory_space<vmem>>, vector<16xf32>,
    %add3A_161 = arith.constant 240 : i32
    %add3A_162 = vector.broadcast %add3A_161 : i32 to vector<16xi32>
    %add3A_163 = arith.addi %add3A_162, %iota3A : vector<16xi32>
    %gather3A_164 = tpu.vector_load_idx %arg8[%add3A_163, %broadcast_in_dim3A] : memref<256x128xf32, #tpu.memory_space<vmem>>[vector<16xi32>, vector<16xi32>], vector<16xf32>,
    %swap3A_165 = arith.constant 240 : index
    %swap3A_166 = tpu.vector_load %arg10[%swap3A_165] {strides = array<i32>} : memref<1024xf32, #tpu.memory_space<vmem>>, vector<16xf32>,
    tpu.vector_store %arg10[%swap3A_165], %gather3A_164 {strides = array<i32>} : memref<1024xf32, #tpu.memory_space<vmem>>, vector<16xf32>,
    %dma_start3A_167 = arith.constant 512 : i32
    %dma_start3A_168 = tpu.memref_slice %arg2[%add3A, %dma_start3A_167, %mul3A_21] : memref<32x1024x2048xf32, #tpu.memory_space<hbm>> -> memref<1x256x128xf32, #tpu.memory_space<hbm>>
    %dma_start3A_169 = tpu.memref_squeeze %dma_start3A_168 : memref<1x256x128xf32, #tpu.memory_space<hbm>> -> memref<256x128xf32, #tpu.memory_space<hbm>>
    %dma_start3A_170 = arith.constant 512 : i32
    %dma_start3A_171 = tpu.memref_slice %arg2[%add3A, %dma_start3A_170, %mul3A_21] : memref<32x1024x2048xf32, #tpu.memory_space<hbm>> -> memref<1x256x128xf32, #tpu.memory_space<hbm>>
    %dma_start3A_172 = tpu.memref_squeeze %dma_start3A_171 : memref<1x256x128xf32, #tpu.memory_space<hbm>> -> memref<256x128xf32, #tpu.memory_space<hbm>>
    tpu.enqueue_dma source(%dma_start3A_172 : memref<256x128xf32, #tpu.memory_space<hbm>>) target(%arg8 : memref<256x128xf32, #tpu.memory_space<vmem>>) target_semaphore(%arg12 : memref<!tpu.dma_semaphore, #tpu.memory_space<semaphore_mem>>)
    %dma_wait3A_173 = arith.constant 256 : i32
    %dma_wait3A_174 = tpu.memref_slice %arg2[%add3A, %dma_wait3A_173, %mul3A_21] : memref<32x1024x2048xf32, #tpu.memory_space<hbm>> -> memref<1x256x128xf32, #tpu.memory_space<hbm>>
    %dma_wait3A_175 = tpu.memref_squeeze %dma_wait3A_174 : memref<1x256x128xf32, #tpu.memory_space<hbm>> -> memref<256x128xf32, #tpu.memory_space<hbm>>
    %dma_wait3A_176 = arith.constant 256 : i32
    %dma_wait3A_177 = tpu.memref_slice %arg2[%add3A, %dma_wait3A_176, %mul3A_21] : memref<32x1024x2048xf32, #tpu.memory_space<hbm>> -> memref<1x256x128xf32, #tpu.memory_space<hbm>>
    %dma_wait3A_178 = tpu.memref_squeeze %dma_wait3A_177 : memref<1x256x128xf32, #tpu.memory_space<hbm>> -> memref<256x128xf32, #tpu.memory_space<hbm>>
    tpu.wait_dma2 semaphore(%arg12 : memref<!tpu.dma_semaphore, #tpu.memory_space<semaphore_mem>>) src(%dma_wait3A_178 : memref<256x128xf32, #tpu.memory_space<hbm>>) dst(%arg9 : memref<256x128xf32, #tpu.memory_space<vmem>>)
    %add3A_179 = arith.constant 0 : i32
    %add3A_180 = vector.broadcast %add3A_179 : i32 to vector<16xi32>
    %add3A_181 = arith.addi %add3A_180, %iota3A : vector<16xi32>
    %gather3A_182 = tpu.vector_load_idx %arg9[%add3A_181, %broadcast_in_dim3A] : memref<256x128xf32, #tpu.memory_space<vmem>>[vector<16xi32>, vector<16xi32>], vector<16xf32>,
    %swap3A_183 = arith.constant 256 : index
    %swap3A_184 = tpu.vector_load %arg10[%swap3A_183] {strides = array<i32>} : memref<1024xf32, #tpu.memory_space<vmem>>, vector<16xf32>,
    tpu.vector_store %arg10[%swap3A_183], %gather3A_182 {strides = array<i32>} : memref<1024xf32, #tpu.memory_space<vmem>>, vector<16xf32>,
    %add3A_185 = arith.constant 16 : i32
    %add3A_186 = vector.broadcast %add3A_185 : i32 to vector<16xi32>
    %add3A_187 = arith.addi %add3A_186, %iota3A : vector<16xi32>
    %gather3A_188 = tpu.vector_load_idx %arg9[%add3A_187, %broadcast_in_dim3A] : memref<256x128xf32, #tpu.memory_space<vmem>>[vector<16xi32>, vector<16xi32>], vector<16xf32>,
    %swap3A_189 = arith.constant 272 : index
    %swap3A_190 = tpu.vector_load %arg10[%swap3A_189] {strides = array<i32>} : memref<1024xf32, #tpu.memory_space<vmem>>, vector<16xf32>,
    tpu.vector_store %arg10[%swap3A_189], %gather3A_188 {strides = array<i32>} : memref<1024xf32, #tpu.memory_space<vmem>>, vector<16xf32>,
    %add3A_191 = arith.constant 32 : i32
    %add3A_192 = vector.broadcast %add3A_191 : i32 to vector<16xi32>
    %add3A_193 = arith.addi %add3A_192, %iota3A : vector<16xi32>
    %gather3A_194 = tpu.vector_load_idx %arg9[%add3A_193, %broadcast_in_dim3A] : memref<256x128xf32, #tpu.memory_space<vmem>>[vector<16xi32>, vector<16xi32>], vector<16xf32>,
    %swap3A_195 = arith.constant 288 : index
    %swap3A_196 = tpu.vector_load %arg10[%swap3A_195] {strides = array<i32>} : memref<1024xf32, #tpu.memory_space<vmem>>, vector<16xf32>,
    tpu.vector_store %arg10[%swap3A_195], %gather3A_194 {strides = array<i32>} : memref<1024xf32, #tpu.memory_space<vmem>>, vector<16xf32>,
    %add3A_197 = arith.constant 48 : i32
    %add3A_198 = vector.broadcast %add3A_197 : i32 to vector<16xi32>
    %add3A_199 = arith.addi %add3A_198, %iota3A : vector<16xi32>
    %gather3A_200 = tpu.vector_load_idx %arg9[%add3A_199, %broadcast_in_dim3A] : memref<256x128xf32, #tpu.memory_space<vmem>>[vector<16xi32>, vector<16xi32>], vector<16xf32>,
    %swap3A_201 = arith.constant 304 : index
    %swap3A_202 = tpu.vector_load %arg10[%swap3A_201] {strides = array<i32>} : memref<1024xf32, #tpu.memory_space<vmem>>, vector<16xf32>,
    tpu.vector_store %arg10[%swap3A_201], %gather3A_200 {strides = array<i32>} : memref<1024xf32, #tpu.memory_space<vmem>>, vector<16xf32>,
    %add3A_203 = arith.constant 64 : i32
    %add3A_204 = vector.broadcast %add3A_203 : i32 to vector<16xi32>
    %add3A_205 = arith.addi %add3A_204, %iota3A : vector<16xi32>
    %gather3A_206 = tpu.vector_load_idx %arg9[%add3A_205, %broadcast_in_dim3A] : memref<256x128xf32, #tpu.memory_space<vmem>>[vector<16xi32>, vector<16xi32>], vector<16xf32>,
    %swap3A_207 = arith.constant 320 : index
    %swap3A_208 = tpu.vector_load %arg10[%swap3A_207] {strides = array<i32>} : memref<1024xf32, #tpu.memory_space<vmem>>, vector<16xf32>,
    tpu.vector_store %arg10[%swap3A_207], %gather3A_206 {strides = array<i32>} : memref<1024xf32, #tpu.memory_space<vmem>>, vector<16xf32>,
    %add3A_209 = arith.constant 80 : i32
    %add3A_210 = vector.broadcast %add3A_209 : i32 to vector<16xi32>
    %add3A_211 = arith.addi %add3A_210, %iota3A : vector<16xi32>
    %gather3A_212 = tpu.vector_load_idx %arg9[%add3A_211, %broadcast_in_dim3A] : memref<256x128xf32, #tpu.memory_space<vmem>>[vector<16xi32>, vector<16xi32>], vector<16xf32>,
    %swap3A_213 = arith.constant 336 : index
    %swap3A_214 = tpu.vector_load %arg10[%swap3A_213] {strides = array<i32>} : memref<1024xf32, #tpu.memory_space<vmem>>, vector<16xf32>,
    tpu.vector_store %arg10[%swap3A_213], %gather3A_212 {strides = array<i32>} : memref<1024xf32, #tpu.memory_space<vmem>>, vector<16xf32>,
    %add3A_215 = arith.constant 96 : i32
    %add3A_216 = vector.broadcast %add3A_215 : i32 to vector<16xi32>
    %add3A_217 = arith.addi %add3A_216, %iota3A : vector<16xi32>
    %gather3A_218 = tpu.vector_load_idx %arg9[%add3A_217, %broadcast_in_dim3A] : memref<256x128xf32, #tpu.memory_space<vmem>>[vector<16xi32>, vector<16xi32>], vector<16xf32>,
    %swap3A_219 = arith.constant 352 : index
    %swap3A_220 = tpu.vector_load %arg10[%swap3A_219] {strides = array<i32>} : memref<1024xf32, #tpu.memory_space<vmem>>, vector<16xf32>,
    tpu.vector_store %arg10[%swap3A_219], %gather3A_218 {strides = array<i32>} : memref<1024xf32, #tpu.memory_space<vmem>>, vector<16xf32>,
    %add3A_221 = arith.constant 112 : i32
    %add3A_222 = vector.broadcast %add3A_221 : i32 to vector<16xi32>
    %add3A_223 = arith.addi %add3A_222, %iota3A : vector<16xi32>
    %gather3A_224 = tpu.vector_load_idx %arg9[%add3A_223, %broadcast_in_dim3A] : memref<256x128xf32, #tpu.memory_space<vmem>>[vector<16xi32>, vector<16xi32>], vector<16xf32>,
    %swap3A_225 = arith.constant 368 : index
    %swap3A_226 = tpu.vector_load %arg10[%swap3A_225] {strides = array<i32>} : memref<1024xf32, #tpu.memory_space<vmem>>, vector<16xf32>,
    tpu.vector_store %arg10[%swap3A_225], %gather3A_224 {strides = array<i32>} : memref<1024xf32, #tpu.memory_space<vmem>>, vector<16xf32>,
    %add3A_227 = arith.constant 128 : i32
    %add3A_228 = vector.broadcast %add3A_227 : i32 to vector<16xi32>
    %add3A_229 = arith.addi %add3A_228, %iota3A : vector<16xi32>
    %gather3A_230 = tpu.vector_load_idx %arg9[%add3A_229, %broadcast_in_dim3A] : memref<256x128xf32, #tpu.memory_space<vmem>>[vector<16xi32>, vector<16xi32>], vector<16xf32>,
    %swap3A_231 = arith.constant 384 : index
    %swap3A_232 = tpu.vector_load %arg10[%swap3A_231] {strides = array<i32>} : memref<1024xf32, #tpu.memory_space<vmem>>, vector<16xf32>,
    tpu.vector_store %arg10[%swap3A_231], %gather3A_230 {strides = array<i32>} : memref<1024xf32, #tpu.memory_space<vmem>>, vector<16xf32>,
    %add3A_233 = arith.constant 144 : i32
    %add3A_234 = vector.broadcast %add3A_233 : i32 to vector<16xi32>
    %add3A_235 = arith.addi %add3A_234, %iota3A : vector<16xi32>
    %gather3A_236 = tpu.vector_load_idx %arg9[%add3A_235, %broadcast_in_dim3A] : memref<256x128xf32, #tpu.memory_space<vmem>>[vector<16xi32>, vector<16xi32>], vector<16xf32>,
    %swap3A_237 = arith.constant 400 : index
    %swap3A_238 = tpu.vector_load %arg10[%swap3A_237] {strides = array<i32>} : memref<1024xf32, #tpu.memory_space<vmem>>, vector<16xf32>,
    tpu.vector_store %arg10[%swap3A_237], %gather3A_236 {strides = array<i32>} : memref<1024xf32, #tpu.memory_space<vmem>>, vector<16xf32>,
    %add3A_239 = arith.constant 160 : i32
    %add3A_240 = vector.broadcast %add3A_239 : i32 to vector<16xi32>
    %add3A_241 = arith.addi %add3A_240, %iota3A : vector<16xi32>
    %gather3A_242 = tpu.vector_load_idx %arg9[%add3A_241, %broadcast_in_dim3A] : memref<256x128xf32, #tpu.memory_space<vmem>>[vector<16xi32>, vector<16xi32>], vector<16xf32>,
    %swap3A_243 = arith.constant 416 : index
    %swap3A_244 = tpu.vector_load %arg10[%swap3A_243] {strides = array<i32>} : memref<1024xf32, #tpu.memory_space<vmem>>, vector<16xf32>,
    tpu.vector_store %arg10[%swap3A_243], %gather3A_242 {strides = array<i32>} : memref<1024xf32, #tpu.memory_space<vmem>>, vector<16xf32>,
    %add3A_245 = arith.constant 176 : i32
    %add3A_246 = vector.broadcast %add3A_245 : i32 to vector<16xi32>
    %add3A_247 = arith.addi %add3A_246, %iota3A : vector<16xi32>
    %gather3A_248 = tpu.vector_load_idx %arg9[%add3A_247, %broadcast_in_dim3A] : memref<256x128xf32, #tpu.memory_space<vmem>>[vector<16xi32>, vector<16xi32>], vector<16xf32>,
    %swap3A_249 = arith.constant 432 : index
    %swap3A_250 = tpu.vector_load %arg10[%swap3A_249] {strides = array<i32>} : memref<1024xf32, #tpu.memory_space<vmem>>, vector<16xf32>,
    tpu.vector_store %arg10[%swap3A_249], %gather3A_248 {strides = array<i32>} : memref<1024xf32, #tpu.memory_space<vmem>>, vector<16xf32>,
    %add3A_251 = arith.constant 192 : i32
    %add3A_252 = vector.broadcast %add3A_251 : i32 to vector<16xi32>
    %add3A_253 = arith.addi %add3A_252, %iota3A : vector<16xi32>
    %gather3A_254 = tpu.vector_load_idx %arg9[%add3A_253, %broadcast_in_dim3A] : memref<256x128xf32, #tpu.memory_space<vmem>>[vector<16xi32>, vector<16xi32>], vector<16xf32>,
    %swap3A_255 = arith.constant 448 : index
    %swap3A_256 = tpu.vector_load %arg10[%swap3A_255] {strides = array<i32>} : memref<1024xf32, #tpu.memory_space<vmem>>, vector<16xf32>,
    tpu.vector_store %arg10[%swap3A_255], %gather3A_254 {strides = array<i32>} : memref<1024xf32, #tpu.memory_space<vmem>>, vector<16xf32>,
    %add3A_257 = arith.constant 208 : i32
    %add3A_258 = vector.broadcast %add3A_257 : i32 to vector<16xi32>
    %add3A_259 = arith.addi %add3A_258, %iota3A : vector<16xi32>
    %gather3A_260 = tpu.vector_load_idx %arg9[%add3A_259, %broadcast_in_dim3A] : memref<256x128xf32, #tpu.memory_space<vmem>>[vector<16xi32>, vector<16xi32>], vector<16xf32>,
    %swap3A_261 = arith.constant 464 : index
    %swap3A_262 = tpu.vector_load %arg10[%swap3A_261] {strides = array<i32>} : memref<1024xf32, #tpu.memory_space<vmem>>, vector<16xf32>,
    tpu.vector_store %arg10[%swap3A_261], %gather3A_260 {strides = array<i32>} : memref<1024xf32, #tpu.memory_space<vmem>>, vector<16xf32>,
    %add3A_263 = arith.constant 224 : i32
    %add3A_264 = vector.broadcast %add3A_263 : i32 to vector<16xi32>
    %add3A_265 = arith.addi %add3A_264, %iota3A : vector<16xi32>
    %gather3A_266 = tpu.vector_load_idx %arg9[%add3A_265, %broadcast_in_dim3A] : memref<256x128xf32, #tpu.memory_space<vmem>>[vector<16xi32>, vector<16xi32>], vector<16xf32>,
    %swap3A_267 = arith.constant 480 : index
    %swap3A_268 = tpu.vector_load %arg10[%swap3A_267] {strides = array<i32>} : memref<1024xf32, #tpu.memory_space<vmem>>, vector<16xf32>,
    tpu.vector_store %arg10[%swap3A_267], %gather3A_266 {strides = array<i32>} : memref<1024xf32, #tpu.memory_space<vmem>>, vector<16xf32>,
    %add3A_269 = arith.constant 240 : i32
    %add3A_270 = vector.broadcast %add3A_269 : i32 to vector<16xi32>
    %add3A_271 = arith.addi %add3A_270, %iota3A : vector<16xi32>
    %gather3A_272 = tpu.vector_load_idx %arg9[%add3A_271, %broadcast_in_dim3A] : memref<256x128xf32, #tpu.memory_space<vmem>>[vector<16xi32>, vector<16xi32>], vector<16xf32>,
    %swap3A_273 = arith.constant 496 : index
    %swap3A_274 = tpu.vector_load %arg10[%swap3A_273] {strides = array<i32>} : memref<1024xf32, #tpu.memory_space<vmem>>, vector<16xf32>,
    tpu.vector_store %arg10[%swap3A_273], %gather3A_272 {strides = array<i32>} : memref<1024xf32, #tpu.memory_space<vmem>>, vector<16xf32>,
    %dma_start3A_275 = arith.constant 768 : i32
    %dma_start3A_276 = tpu.memref_slice %arg2[%add3A, %dma_start3A_275, %mul3A_21] : memref<32x1024x2048xf32, #tpu.memory_space<hbm>> -> memref<1x256x128xf32, #tpu.memory_space<hbm>>
    %dma_start3A_277 = tpu.memref_squeeze %dma_start3A_276 : memref<1x256x128xf32, #tpu.memory_space<hbm>> -> memref<256x128xf32, #tpu.memory_space<hbm>>
    %dma_start3A_278 = arith.constant 768 : i32
    %dma_start3A_279 = tpu.memref_slice %arg2[%add3A, %dma_start3A_278, %mul3A_21] : memref<32x1024x2048xf32, #tpu.memory_space<hbm>> -> memref<1x256x128xf32, #tpu.memory_space<hbm>>
    %dma_start3A_280 = tpu.memref_squeeze %dma_start3A_279 : memref<1x256x128xf32, #tpu.memory_space<hbm>> -> memref<256x128xf32, #tpu.memory_space<hbm>>
    tpu.enqueue_dma source(%dma_start3A_280 : memref<256x128xf32, #tpu.memory_space<hbm>>) target(%arg9 : memref<256x128xf32, #tpu.memory_space<vmem>>) target_semaphore(%arg12 : memref<!tpu.dma_semaphore, #tpu.memory_space<semaphore_mem>>)
    %dma_wait3A_281 = arith.constant 512 : i32
    %dma_wait3A_282 = tpu.memref_slice %arg2[%add3A, %dma_wait3A_281, %mul3A_21] : memref<32x1024x2048xf32, #tpu.memory_space<hbm>> -> memref<1x256x128xf32, #tpu.memory_space<hbm>>
    %dma_wait3A_283 = tpu.memref_squeeze %dma_wait3A_282 : memref<1x256x128xf32, #tpu.memory_space<hbm>> -> memref<256x128xf32, #tpu.memory_space<hbm>>
    %dma_wait3A_284 = arith.constant 512 : i32
    %dma_wait3A_285 = tpu.memref_slice %arg2[%add3A, %dma_wait3A_284, %mul3A_21] : memref<32x1024x2048xf32, #tpu.memory_space<hbm>> -> memref<1x256x128xf32, #tpu.memory_space<hbm>>
    %dma_wait3A_286 = tpu.memref_squeeze %dma_wait3A_285 : memref<1x256x128xf32, #tpu.memory_space<hbm>> -> memref<256x128xf32, #tpu.memory_space<hbm>>
    tpu.wait_dma2 semaphore(%arg12 : memref<!tpu.dma_semaphore, #tpu.memory_space<semaphore_mem>>) src(%dma_wait3A_286 : memref<256x128xf32, #tpu.memory_space<hbm>>) dst(%arg8 : memref<256x128xf32, #tpu.memory_space<vmem>>)
    %add3A_287 = arith.constant 0 : i32
    %add3A_288 = vector.broadcast %add3A_287 : i32 to vector<16xi32>
    %add3A_289 = arith.addi %add3A_288, %iota3A : vector<16xi32>
    %gather3A_290 = tpu.vector_load_idx %arg8[%add3A_289, %broadcast_in_dim3A] : memref<256x128xf32, #tpu.memory_space<vmem>>[vector<16xi32>, vector<16xi32>], vector<16xf32>,
    %swap3A_291 = arith.constant 512 : index
    %swap3A_292 = tpu.vector_load %arg10[%swap3A_291] {strides = array<i32>} : memref<1024xf32, #tpu.memory_space<vmem>>, vector<16xf32>,
    tpu.vector_store %arg10[%swap3A_291], %gather3A_290 {strides = array<i32>} : memref<1024xf32, #tpu.memory_space<vmem>>, vector<16xf32>,
    %add3A_293 = arith.constant 16 : i32
    %add3A_294 = vector.broadcast %add3A_293 : i32 to vector<16xi32>
    %add3A_295 = arith.addi %add3A_294, %iota3A : vector<16xi32>
    %gather3A_296 = tpu.vector_load_idx %arg8[%add3A_295, %broadcast_in_dim3A] : memref<256x128xf32, #tpu.memory_space<vmem>>[vector<16xi32>, vector<16xi32>], vector<16xf32>,
    %swap3A_297 = arith.constant 528 : index
    %swap3A_298 = tpu.vector_load %arg10[%swap3A_297] {strides = array<i32>} : memref<1024xf32, #tpu.memory_space<vmem>>, vector<16xf32>,
    tpu.vector_store %arg10[%swap3A_297], %gather3A_296 {strides = array<i32>} : memref<1024xf32, #tpu.memory_space<vmem>>, vector<16xf32>,
    %add3A_299 = arith.constant 32 : i32
    %add3A_300 = vector.broadcast %add3A_299 : i32 to vector<16xi32>
    %add3A_301 = arith.addi %add3A_300, %iota3A : vector<16xi32>
    %gather3A_302 = tpu.vector_load_idx %arg8[%add3A_301, %broadcast_in_dim3A] : memref<256x128xf32, #tpu.memory_space<vmem>>[vector<16xi32>, vector<16xi32>], vector<16xf32>,
    %swap3A_303 = arith.constant 544 : index
    %swap3A_304 = tpu.vector_load %arg10[%swap3A_303] {strides = array<i32>} : memref<1024xf32, #tpu.memory_space<vmem>>, vector<16xf32>,
    tpu.vector_store %arg10[%swap3A_303], %gather3A_302 {strides = array<i32>} : memref<1024xf32, #tpu.memory_space<vmem>>, vector<16xf32>,
    %add3A_305 = arith.constant 48 : i32
    %add3A_306 = vector.broadcast %add3A_305 : i32 to vector<16xi32>
    %add3A_307 = arith.addi %add3A_306, %iota3A : vector<16xi32>
    %gather3A_308 = tpu.vector_load_idx %arg8[%add3A_307, %broadcast_in_dim3A] : memref<256x128xf32, #tpu.memory_space<vmem>>[vector<16xi32>, vector<16xi32>], vector<16xf32>,
    %swap3A_309 = arith.constant 560 : index
    %swap3A_310 = tpu.vector_load %arg10[%swap3A_309] {strides = array<i32>} : memref<1024xf32, #tpu.memory_space<vmem>>, vector<16xf32>,
    tpu.vector_store %arg10[%swap3A_309], %gather3A_308 {strides = array<i32>} : memref<1024xf32, #tpu.memory_space<vmem>>, vector<16xf32>,
    %add3A_311 = arith.constant 64 : i32
    %add3A_312 = vector.broadcast %add3A_311 : i32 to vector<16xi32>
    %add3A_313 = arith.addi %add3A_312, %iota3A : vector<16xi32>
    %gather3A_314 = tpu.vector_load_idx %arg8[%add3A_313, %broadcast_in_dim3A] : memref<256x128xf32, #tpu.memory_space<vmem>>[vector<16xi32>, vector<16xi32>], vector<16xf32>,
    %swap3A_315 = arith.constant 576 : index
    %swap3A_316 = tpu.vector_load %arg10[%swap3A_315] {strides = array<i32>} : memref<1024xf32, #tpu.memory_space<vmem>>, vector<16xf32>,
    tpu.vector_store %arg10[%swap3A_315], %gather3A_314 {strides = array<i32>} : memref<1024xf32, #tpu.memory_space<vmem>>, vector<16xf32>,
    %add3A_317 = arith.constant 80 : i32
    %add3A_318 = vector.broadcast %add3A_317 : i32 to vector<16xi32>
    %add3A_319 = arith.addi %add3A_318, %iota3A : vector<16xi32>
    %gather3A_320 = tpu.vector_load_idx %arg8[%add3A_319, %broadcast_in_dim3A] : memref<256x128xf32, #tpu.memory_space<vmem>>[vector<16xi32>, vector<16xi32>], vector<16xf32>,
    %swap3A_321 = arith.constant 592 : index
    %swap3A_322 = tpu.vector_load %arg10[%swap3A_321] {strides = array<i32>} : memref<1024xf32, #tpu.memory_space<vmem>>, vector<16xf32>,
    tpu.vector_store %arg10[%swap3A_321], %gather3A_320 {strides = array<i32>} : memref<1024xf32, #tpu.memory_space<vmem>>, vector<16xf32>,
    %add3A_323 = arith.constant 96 : i32
    %add3A_324 = vector.broadcast %add3A_323 : i32 to vector<16xi32>
    %add3A_325 = arith.addi %add3A_324, %iota3A : vector<16xi32>
    %gather3A_326 = tpu.vector_load_idx %arg8[%add3A_325, %broadcast_in_dim3A] : memref<256x128xf32, #tpu.memory_space<vmem>>[vector<16xi32>, vector<16xi32>], vector<16xf32>,
    %swap3A_327 = arith.constant 608 : index
    %swap3A_328 = tpu.vector_load %arg10[%swap3A_327] {strides = array<i32>} : memref<1024xf32, #tpu.memory_space<vmem>>, vector<16xf32>,
    tpu.vector_store %arg10[%swap3A_327], %gather3A_326 {strides = array<i32>} : memref<1024xf32, #tpu.memory_space<vmem>>, vector<16xf32>,
    %add3A_329 = arith.constant 112 : i32
    %add3A_330 = vector.broadcast %add3A_329 : i32 to vector<16xi32>
    %add3A_331 = arith.addi %add3A_330, %iota3A : vector<16xi32>
    %gather3A_332 = tpu.vector_load_idx %arg8[%add3A_331, %broadcast_in_dim3A] : memref<256x128xf32, #tpu.memory_space<vmem>>[vector<16xi32>, vector<16xi32>], vector<16xf32>,
    %swap3A_333 = arith.constant 624 : index
    %swap3A_334 = tpu.vector_load %arg10[%swap3A_333] {strides = array<i32>} : memref<1024xf32, #tpu.memory_space<vmem>>, vector<16xf32>,
    tpu.vector_store %arg10[%swap3A_333], %gather3A_332 {strides = array<i32>} : memref<1024xf32, #tpu.memory_space<vmem>>, vector<16xf32>,
    %add3A_335 = arith.constant 128 : i32
    %add3A_336 = vector.broadcast %add3A_335 : i32 to vector<16xi32>
    %add3A_337 = arith.addi %add3A_336, %iota3A : vector<16xi32>
    %gather3A_338 = tpu.vector_load_idx %arg8[%add3A_337, %broadcast_in_dim3A] : memref<256x128xf32, #tpu.memory_space<vmem>>[vector<16xi32>, vector<16xi32>], vector<16xf32>,
    %swap3A_339 = arith.constant 640 : index
    %swap3A_340 = tpu.vector_load %arg10[%swap3A_339] {strides = array<i32>} : memref<1024xf32, #tpu.memory_space<vmem>>, vector<16xf32>,
    tpu.vector_store %arg10[%swap3A_339], %gather3A_338 {strides = array<i32>} : memref<1024xf32, #tpu.memory_space<vmem>>, vector<16xf32>,
    %add3A_341 = arith.constant 144 : i32
    %add3A_342 = vector.broadcast %add3A_341 : i32 to vector<16xi32>
    %add3A_343 = arith.addi %add3A_342, %iota3A : vector<16xi32>
    %gather3A_344 = tpu.vector_load_idx %arg8[%add3A_343, %broadcast_in_dim3A] : memref<256x128xf32, #tpu.memory_space<vmem>>[vector<16xi32>, vector<16xi32>], vector<16xf32>,
    %swap3A_345 = arith.constant 656 : index
    %swap3A_346 = tpu.vector_load %arg10[%swap3A_345] {strides = array<i32>} : memref<1024xf32, #tpu.memory_space<vmem>>, vector<16xf32>,
    tpu.vector_store %arg10[%swap3A_345], %gather3A_344 {strides = array<i32>} : memref<1024xf32, #tpu.memory_space<vmem>>, vector<16xf32>,
    %add3A_347 = arith.constant 160 : i32
    %add3A_348 = vector.broadcast %add3A_347 : i32 to vector<16xi32>
    %add3A_349 = arith.addi %add3A_348, %iota3A : vector<16xi32>
    %gather3A_350 = tpu.vector_load_idx %arg8[%add3A_349, %broadcast_in_dim3A] : memref<256x128xf32, #tpu.memory_space<vmem>>[vector<16xi32>, vector<16xi32>], vector<16xf32>,
    %swap3A_351 = arith.constant 672 : index
    %swap3A_352 = tpu.vector_load %arg10[%swap3A_351] {strides = array<i32>} : memref<1024xf32, #tpu.memory_space<vmem>>, vector<16xf32>,
    tpu.vector_store %arg10[%swap3A_351], %gather3A_350 {strides = array<i32>} : memref<1024xf32, #tpu.memory_space<vmem>>, vector<16xf32>,
    %add3A_353 = arith.constant 176 : i32
    %add3A_354 = vector.broadcast %add3A_353 : i32 to vector<16xi32>
    %add3A_355 = arith.addi %add3A_354, %iota3A : vector<16xi32>
    %gather3A_356 = tpu.vector_load_idx %arg8[%add3A_355, %broadcast_in_dim3A] : memref<256x128xf32, #tpu.memory_space<vmem>>[vector<16xi32>, vector<16xi32>], vector<16xf32>,
    %swap3A_357 = arith.constant 688 : index
    %swap3A_358 = tpu.vector_load %arg10[%swap3A_357] {strides = array<i32>} : memref<1024xf32, #tpu.memory_space<vmem>>, vector<16xf32>,
    tpu.vector_store %arg10[%swap3A_357], %gather3A_356 {strides = array<i32>} : memref<1024xf32, #tpu.memory_space<vmem>>, vector<16xf32>,
    %add3A_359 = arith.constant 192 : i32
    %add3A_360 = vector.broadcast %add3A_359 : i32 to vector<16xi32>
    %add3A_361 = arith.addi %add3A_360, %iota3A : vector<16xi32>
    %gather3A_362 = tpu.vector_load_idx %arg8[%add3A_361, %broadcast_in_dim3A] : memref<256x128xf32, #tpu.memory_space<vmem>>[vector<16xi32>, vector<16xi32>], vector<16xf32>,
    %swap3A_363 = arith.constant 704 : index
    %swap3A_364 = tpu.vector_load %arg10[%swap3A_363] {strides = array<i32>} : memref<1024xf32, #tpu.memory_space<vmem>>, vector<16xf32>,
    tpu.vector_store %arg10[%swap3A_363], %gather3A_362 {strides = array<i32>} : memref<1024xf32, #tpu.memory_space<vmem>>, vector<16xf32>,
    %add3A_365 = arith.constant 208 : i32
    %add3A_366 = vector.broadcast %add3A_365 : i32 to vector<16xi32>
    %add3A_367 = arith.addi %add3A_366, %iota3A : vector<16xi32>
    %gather3A_368 = tpu.vector_load_idx %arg8[%add3A_367, %broadcast_in_dim3A] : memref<256x128xf32, #tpu.memory_space<vmem>>[vector<16xi32>, vector<16xi32>], vector<16xf32>,
    %swap3A_369 = arith.constant 720 : index
    %swap3A_370 = tpu.vector_load %arg10[%swap3A_369] {strides = array<i32>} : memref<1024xf32, #tpu.memory_space<vmem>>, vector<16xf32>,
    tpu.vector_store %arg10[%swap3A_369], %gather3A_368 {strides = array<i32>} : memref<1024xf32, #tpu.memory_space<vmem>>, vector<16xf32>,
    %add3A_371 = arith.constant 224 : i32
    %add3A_372 = vector.broadcast %add3A_371 : i32 to vector<16xi32>
    %add3A_373 = arith.addi %add3A_372, %iota3A : vector<16xi32>
    %gather3A_374 = tpu.vector_load_idx %arg8[%add3A_373, %broadcast_in_dim3A] : memref<256x128xf32, #tpu.memory_space<vmem>>[vector<16xi32>, vector<16xi32>], vector<16xf32>,
    %swap3A_375 = arith.constant 736 : index
    %swap3A_376 = tpu.vector_load %arg10[%swap3A_375] {strides = array<i32>} : memref<1024xf32, #tpu.memory_space<vmem>>, vector<16xf32>,
    tpu.vector_store %arg10[%swap3A_375], %gather3A_374 {strides = array<i32>} : memref<1024xf32, #tpu.memory_space<vmem>>, vector<16xf32>,
    %add3A_377 = arith.constant 240 : i32
    %add3A_378 = vector.broadcast %add3A_377 : i32 to vector<16xi32>
    %add3A_379 = arith.addi %add3A_378, %iota3A : vector<16xi32>
    %gather3A_380 = tpu.vector_load_idx %arg8[%add3A_379, %broadcast_in_dim3A] : memref<256x128xf32, #tpu.memory_space<vmem>>[vector<16xi32>, vector<16xi32>], vector<16xf32>,
    %swap3A_381 = arith.constant 752 : index
    %swap3A_382 = tpu.vector_load %arg10[%swap3A_381] {strides = array<i32>} : memref<1024xf32, #tpu.memory_space<vmem>>, vector<16xf32>,
    tpu.vector_store %arg10[%swap3A_381], %gather3A_380 {strides = array<i32>} : memref<1024xf32, #tpu.memory_space<vmem>>, vector<16xf32>,
    %dma_start3A_383 = arith.constant 0 : i32
    %dma_start3A_384 = tpu.memref_slice %arg3[%add3A, %dma_start3A_383, %mul3A_54] : memref<32x1024x2048xf32, #tpu.memory_space<hbm>> -> memref<1x256x128xf32, #tpu.memory_space<hbm>>
    %dma_start3A_385 = tpu.memref_squeeze %dma_start3A_384 : memref<1x256x128xf32, #tpu.memory_space<hbm>> -> memref<256x128xf32, #tpu.memory_space<hbm>>
    %dma_start3A_386 = arith.constant 0 : i32
    %dma_start3A_387 = tpu.memref_slice %arg3[%add3A, %dma_start3A_386, %mul3A_54] : memref<32x1024x2048xf32, #tpu.memory_space<hbm>> -> memref<1x256x128xf32, #tpu.memory_space<hbm>>
    %dma_start3A_388 = tpu.memref_squeeze %dma_start3A_387 : memref<1x256x128xf32, #tpu.memory_space<hbm>> -> memref<256x128xf32, #tpu.memory_space<hbm>>
    tpu.enqueue_dma source(%dma_start3A_388 : memref<256x128xf32, #tpu.memory_space<hbm>>) target(%arg8 : memref<256x128xf32, #tpu.memory_space<vmem>>) target_semaphore(%arg12 : memref<!tpu.dma_semaphore, #tpu.memory_space<semaphore_mem>>)
    %dma_wait3A_389 = arith.constant 768 : i32
    %dma_wait3A_390 = tpu.memref_slice %arg2[%add3A, %dma_wait3A_389, %mul3A_21] : memref<32x1024x2048xf32, #tpu.memory_space<hbm>> -> memref<1x256x128xf32, #tpu.memory_space<hbm>>
    %dma_wait3A_391 = tpu.memref_squeeze %dma_wait3A_390 : memref<1x256x128xf32, #tpu.memory_space<hbm>> -> memref<256x128xf32, #tpu.memory_space<hbm>>
    %dma_wait3A_392 = arith.constant 768 : i32
    %dma_wait3A_393 = tpu.memref_slice %arg2[%add3A, %dma_wait3A_392, %mul3A_21] : memref<32x1024x2048xf32, #tpu.memory_space<hbm>> -> memref<1x256x128xf32, #tpu.memory_space<hbm>>
    %dma_wait3A_394 = tpu.memref_squeeze %dma_wait3A_393 : memref<1x256x128xf32, #tpu.memory_space<hbm>> -> memref<256x128xf32, #tpu.memory_space<hbm>>
    tpu.wait_dma2 semaphore(%arg12 : memref<!tpu.dma_semaphore, #tpu.memory_space<semaphore_mem>>) src(%dma_wait3A_394 : memref<256x128xf32, #tpu.memory_space<hbm>>) dst(%arg9 : memref<256x128xf32, #tpu.memory_space<vmem>>)
    %add3A_395 = arith.constant 0 : i32
    %add3A_396 = vector.broadcast %add3A_395 : i32 to vector<16xi32>
    %add3A_397 = arith.addi %add3A_396, %iota3A : vector<16xi32>
    %gather3A_398 = tpu.vector_load_idx %arg9[%add3A_397, %broadcast_in_dim3A] : memref<256x128xf32, #tpu.memory_space<vmem>>[vector<16xi32>, vector<16xi32>], vector<16xf32>,
    %swap3A_399 = arith.constant 768 : index
    %swap3A_400 = tpu.vector_load %arg10[%swap3A_399] {strides = array<i32>} : memref<1024xf32, #tpu.memory_space<vmem>>, vector<16xf32>,
    tpu.vector_store %arg10[%swap3A_399], %gather3A_398 {strides = array<i32>} : memref<1024xf32, #tpu.memory_space<vmem>>, vector<16xf32>,
    %add3A_401 = arith.constant 16 : i32
    %add3A_402 = vector.broadcast %add3A_401 : i32 to vector<16xi32>
    %add3A_403 = arith.addi %add3A_402, %iota3A : vector<16xi32>
    %gather3A_404 = tpu.vector_load_idx %arg9[%add3A_403, %broadcast_in_dim3A] : memref<256x128xf32, #tpu.memory_space<vmem>>[vector<16xi32>, vector<16xi32>], vector<16xf32>,
    %swap3A_405 = arith.constant 784 : index
    %swap3A_406 = tpu.vector_load %arg10[%swap3A_405] {strides = array<i32>} : memref<1024xf32, #tpu.memory_space<vmem>>, vector<16xf32>,
    tpu.vector_store %arg10[%swap3A_405], %gather3A_404 {strides = array<i32>} : memref<1024xf32, #tpu.memory_space<vmem>>, vector<16xf32>,
    %add3A_407 = arith.constant 32 : i32
    %add3A_408 = vector.broadcast %add3A_407 : i32 to vector<16xi32>
    %add3A_409 = arith.addi %add3A_408, %iota3A : vector<16xi32>
    %gather3A_410 = tpu.vector_load_idx %arg9[%add3A_409, %broadcast_in_dim3A] : memref<256x128xf32, #tpu.memory_space<vmem>>[vector<16xi32>, vector<16xi32>], vector<16xf32>,
    %swap3A_411 = arith.constant 800 : index
    %swap3A_412 = tpu.vector_load %arg10[%swap3A_411] {strides = array<i32>} : memref<1024xf32, #tpu.memory_space<vmem>>, vector<16xf32>,
    tpu.vector_store %arg10[%swap3A_411], %gather3A_410 {strides = array<i32>} : memref<1024xf32, #tpu.memory_space<vmem>>, vector<16xf32>,
    %add3A_413 = arith.constant 48 : i32
    %add3A_414 = vector.broadcast %add3A_413 : i32 to vector<16xi32>
    %add3A_415 = arith.addi %add3A_414, %iota3A : vector<16xi32>
    %gather3A_416 = tpu.vector_load_idx %arg9[%add3A_415, %broadcast_in_dim3A] : memref<256x128xf32, #tpu.memory_space<vmem>>[vector<16xi32>, vector<16xi32>], vector<16xf32>,
    %swap3A_417 = arith.constant 816 : index
    %swap3A_418 = tpu.vector_load %arg10[%swap3A_417] {strides = array<i32>} : memref<1024xf32, #tpu.memory_space<vmem>>, vector<16xf32>,
    tpu.vector_store %arg10[%swap3A_417], %gather3A_416 {strides = array<i32>} : memref<1024xf32, #tpu.memory_space<vmem>>, vector<16xf32>,
    %add3A_419 = arith.constant 64 : i32
    %add3A_420 = vector.broadcast %add3A_419 : i32 to vector<16xi32>
    %add3A_421 = arith.addi %add3A_420, %iota3A : vector<16xi32>
    %gather3A_422 = tpu.vector_load_idx %arg9[%add3A_421, %broadcast_in_dim3A] : memref<256x128xf32, #tpu.memory_space<vmem>>[vector<16xi32>, vector<16xi32>], vector<16xf32>,
    %swap3A_423 = arith.constant 832 : index
    %swap3A_424 = tpu.vector_load %arg10[%swap3A_423] {strides = array<i32>} : memref<1024xf32, #tpu.memory_space<vmem>>, vector<16xf32>,
    tpu.vector_store %arg10[%swap3A_423], %gather3A_422 {strides = array<i32>} : memref<1024xf32, #tpu.memory_space<vmem>>, vector<16xf32>,
    %add3A_425 = arith.constant 80 : i32
    %add3A_426 = vector.broadcast %add3A_425 : i32 to vector<16xi32>
    %add3A_427 = arith.addi %add3A_426, %iota3A : vector<16xi32>
    %gather3A_428 = tpu.vector_load_idx %arg9[%add3A_427, %broadcast_in_dim3A] : memref<256x128xf32, #tpu.memory_space<vmem>>[vector<16xi32>, vector<16xi32>], vector<16xf32>,
    %swap3A_429 = arith.constant 848 : index
    %swap3A_430 = tpu.vector_load %arg10[%swap3A_429] {strides = array<i32>} : memref<1024xf32, #tpu.memory_space<vmem>>, vector<16xf32>,
    tpu.vector_store %arg10[%swap3A_429], %gather3A_428 {strides = array<i32>} : memref<1024xf32, #tpu.memory_space<vmem>>, vector<16xf32>,
    %add3A_431 = arith.constant 96 : i32
    %add3A_432 = vector.broadcast %add3A_431 : i32 to vector<16xi32>
    %add3A_433 = arith.addi %add3A_432, %iota3A : vector<16xi32>
    %gather3A_434 = tpu.vector_load_idx %arg9[%add3A_433, %broadcast_in_dim3A] : memref<256x128xf32, #tpu.memory_space<vmem>>[vector<16xi32>, vector<16xi32>], vector<16xf32>,
    %swap3A_435 = arith.constant 864 : index
    %swap3A_436 = tpu.vector_load %arg10[%swap3A_435] {strides = array<i32>} : memref<1024xf32, #tpu.memory_space<vmem>>, vector<16xf32>,
    tpu.vector_store %arg10[%swap3A_435], %gather3A_434 {strides = array<i32>} : memref<1024xf32, #tpu.memory_space<vmem>>, vector<16xf32>,
    %add3A_437 = arith.constant 112 : i32
    %add3A_438 = vector.broadcast %add3A_437 : i32 to vector<16xi32>
    %add3A_439 = arith.addi %add3A_438, %iota3A : vector<16xi32>
    %gather3A_440 = tpu.vector_load_idx %arg9[%add3A_439, %broadcast_in_dim3A] : memref<256x128xf32, #tpu.memory_space<vmem>>[vector<16xi32>, vector<16xi32>], vector<16xf32>,
    %swap3A_441 = arith.constant 880 : index
    %swap3A_442 = tpu.vector_load %arg10[%swap3A_441] {strides = array<i32>} : memref<1024xf32, #tpu.memory_space<vmem>>, vector<16xf32>,
    tpu.vector_store %arg10[%swap3A_441], %gather3A_440 {strides = array<i32>} : memref<1024xf32, #tpu.memory_space<vmem>>, vector<16xf32>,
    %add3A_443 = arith.constant 128 : i32
    %add3A_444 = vector.broadcast %add3A_443 : i32 to vector<16xi32>
    %add3A_445 = arith.addi %add3A_444, %iota3A : vector<16xi32>
    %gather3A_446 = tpu.vector_load_idx %arg9[%add3A_445, %broadcast_in_dim3A] : memref<256x128xf32, #tpu.memory_space<vmem>>[vector<16xi32>, vector<16xi32>], vector<16xf32>,
    %swap3A_447 = arith.constant 896 : index
    %swap3A_448 = tpu.vector_load %arg10[%swap3A_447] {strides = array<i32>} : memref<1024xf32, #tpu.memory_space<vmem>>, vector<16xf32>,
    tpu.vector_store %arg10[%swap3A_447], %gather3A_446 {strides = array<i32>} : memref<1024xf32, #tpu.memory_space<vmem>>, vector<16xf32>,
    %add3A_449 = arith.constant 144 : i32
    %add3A_450 = vector.broadcast %add3A_449 : i32 to vector<16xi32>
    %add3A_451 = arith.addi %add3A_450, %iota3A : vector<16xi32>
    %gather3A_452 = tpu.vector_load_idx %arg9[%add3A_451, %broadcast_in_dim3A] : memref<256x128xf32, #tpu.memory_space<vmem>>[vector<16xi32>, vector<16xi32>], vector<16xf32>,
    %swap3A_453 = arith.constant 912 : index
    %swap3A_454 = tpu.vector_load %arg10[%swap3A_453] {strides = array<i32>} : memref<1024xf32, #tpu.memory_space<vmem>>, vector<16xf32>,
    tpu.vector_store %arg10[%swap3A_453], %gather3A_452 {strides = array<i32>} : memref<1024xf32, #tpu.memory_space<vmem>>, vector<16xf32>,
    %add3A_455 = arith.constant 160 : i32
    %add3A_456 = vector.broadcast %add3A_455 : i32 to vector<16xi32>
    %add3A_457 = arith.addi %add3A_456, %iota3A : vector<16xi32>
    %gather3A_458 = tpu.vector_load_idx %arg9[%add3A_457, %broadcast_in_dim3A] : memref<256x128xf32, #tpu.memory_space<vmem>>[vector<16xi32>, vector<16xi32>], vector<16xf32>,
    %swap3A_459 = arith.constant 928 : index
    %swap3A_460 = tpu.vector_load %arg10[%swap3A_459] {strides = array<i32>} : memref<1024xf32, #tpu.memory_space<vmem>>, vector<16xf32>,
    tpu.vector_store %arg10[%swap3A_459], %gather3A_458 {strides = array<i32>} : memref<1024xf32, #tpu.memory_space<vmem>>, vector<16xf32>,
    %add3A_461 = arith.constant 176 : i32
    %add3A_462 = vector.broadcast %add3A_461 : i32 to vector<16xi32>
    %add3A_463 = arith.addi %add3A_462, %iota3A : vector<16xi32>
    %gather3A_464 = tpu.vector_load_idx %arg9[%add3A_463, %broadcast_in_dim3A] : memref<256x128xf32, #tpu.memory_space<vmem>>[vector<16xi32>, vector<16xi32>], vector<16xf32>,
    %swap3A_465 = arith.constant 944 : index
    %swap3A_466 = tpu.vector_load %arg10[%swap3A_465] {strides = array<i32>} : memref<1024xf32, #tpu.memory_space<vmem>>, vector<16xf32>,
    tpu.vector_store %arg10[%swap3A_465], %gather3A_464 {strides = array<i32>} : memref<1024xf32, #tpu.memory_space<vmem>>, vector<16xf32>,
    %add3A_467 = arith.constant 192 : i32
    %add3A_468 = vector.broadcast %add3A_467 : i32 to vector<16xi32>
    %add3A_469 = arith.addi %add3A_468, %iota3A : vector<16xi32>
    %gather3A_470 = tpu.vector_load_idx %arg9[%add3A_469, %broadcast_in_dim3A] : memref<256x128xf32, #tpu.memory_space<vmem>>[vector<16xi32>, vector<16xi32>], vector<16xf32>,
    %swap3A_471 = arith.constant 960 : index
    %swap3A_472 = tpu.vector_load %arg10[%swap3A_471] {strides = array<i32>} : memref<1024xf32, #tpu.memory_space<vmem>>, vector<16xf32>,
    tpu.vector_store %arg10[%swap3A_471], %gather3A_470 {strides = array<i32>} : memref<1024xf32, #tpu.memory_space<vmem>>, vector<16xf32>,
    %add3A_473 = arith.constant 208 : i32
    %add3A_474 = vector.broadcast %add3A_473 : i32 to vector<16xi32>
    %add3A_475 = arith.addi %add3A_474, %iota3A : vector<16xi32>
    %gather3A_476 = tpu.vector_load_idx %arg9[%add3A_475, %broadcast_in_dim3A] : memref<256x128xf32, #tpu.memory_space<vmem>>[vector<16xi32>, vector<16xi32>], vector<16xf32>,
    %swap3A_477 = arith.constant 976 : index
    %swap3A_478 = tpu.vector_load %arg10[%swap3A_477] {strides = array<i32>} : memref<1024xf32, #tpu.memory_space<vmem>>, vector<16xf32>,
    tpu.vector_store %arg10[%swap3A_477], %gather3A_476 {strides = array<i32>} : memref<1024xf32, #tpu.memory_space<vmem>>, vector<16xf32>,
    %add3A_479 = arith.constant 224 : i32
    %add3A_480 = vector.broadcast %add3A_479 : i32 to vector<16xi32>
    %add3A_481 = arith.addi %add3A_480, %iota3A : vector<16xi32>
    %gather3A_482 = tpu.vector_load_idx %arg9[%add3A_481, %broadcast_in_dim3A] : memref<256x128xf32, #tpu.memory_space<vmem>>[vector<16xi32>, vector<16xi32>], vector<16xf32>,
    %swap3A_483 = arith.constant 992 : index
    %swap3A_484 = tpu.vector_load %arg10[%swap3A_483] {strides = array<i32>} : memref<1024xf32, #tpu.memory_space<vmem>>, vector<16xf32>,
    tpu.vector_store %arg10[%swap3A_483], %gather3A_482 {strides = array<i32>} : memref<1024xf32, #tpu.memory_space<vmem>>, vector<16xf32>,
    %add3A_485 = arith.constant 240 : i32
    %add3A_486 = vector.broadcast %add3A_485 : i32 to vector<16xi32>
    %add3A_487 = arith.addi %add3A_486, %iota3A : vector<16xi32>
    %gather3A_488 = tpu.vector_load_idx %arg9[%add3A_487, %broadcast_in_dim3A] : memref<256x128xf32, #tpu.memory_space<vmem>>[vector<16xi32>, vector<16xi32>], vector<16xf32>,
    %swap3A_489 = arith.constant 1008 : index
    %swap3A_490 = tpu.vector_load %arg10[%swap3A_489] {strides = array<i32>} : memref<1024xf32, #tpu.memory_space<vmem>>, vector<16xf32>,
    tpu.vector_store %arg10[%swap3A_489], %gather3A_488 {strides = array<i32>} : memref<1024xf32, #tpu.memory_space<vmem>>, vector<16xf32>,
    %dma_start3A_491 = arith.constant 256 : i32
    %dma_start3A_492 = tpu.memref_slice %arg3[%add3A, %dma_start3A_491, %mul3A_54] : memref<32x1024x2048xf32, #tpu.memory_space<hbm>> -> memref<1x256x128xf32, #tpu.memory_space<hbm>>
    %dma_start3A_493 = tpu.memref_squeeze %dma_start3A_492 : memref<1x256x128xf32, #tpu.memory_space<hbm>> -> memref<256x128xf32, #tpu.memory_space<hbm>>
    %dma_start3A_494 = arith.constant 256 : i32
    %dma_start3A_495 = tpu.memref_slice %arg3[%add3A, %dma_start3A_494, %mul3A_54] : memref<32x1024x2048xf32, #tpu.memory_space<hbm>> -> memref<1x256x128xf32, #tpu.memory_space<hbm>>
    %dma_start3A_496 = tpu.memref_squeeze %dma_start3A_495 : memref<1x256x128xf32, #tpu.memory_space<hbm>> -> memref<256x128xf32, #tpu.memory_space<hbm>>
    tpu.enqueue_dma source(%dma_start3A_496 : memref<256x128xf32, #tpu.memory_space<hbm>>) target(%arg9 : memref<256x128xf32, #tpu.memory_space<vmem>>) target_semaphore(%arg12 : memref<!tpu.dma_semaphore, #tpu.memory_space<semaphore_mem>>)
    %dma_wait3A_497 = arith.constant 0 : i32
    %dma_wait3A_498 = tpu.memref_slice %arg3[%add3A, %dma_wait3A_497, %mul3A_54] : memref<32x1024x2048xf32, #tpu.memory_space<hbm>> -> memref<1x256x128xf32, #tpu.memory_space<hbm>>
    %dma_wait3A_499 = tpu.memref_squeeze %dma_wait3A_498 : memref<1x256x128xf32, #tpu.memory_space<hbm>> -> memref<256x128xf32, #tpu.memory_space<hbm>>
    %dma_wait3A_500 = arith.constant 0 : i32
    %dma_wait3A_501 = tpu.memref_slice %arg3[%add3A, %dma_wait3A_500, %mul3A_54] : memref<32x1024x2048xf32, #tpu.memory_space<hbm>> -> memref<1x256x128xf32, #tpu.memory_space<hbm>>
    %dma_wait3A_502 = tpu.memref_squeeze %dma_wait3A_501 : memref<1x256x128xf32, #tpu.memory_space<hbm>> -> memref<256x128xf32, #tpu.memory_space<hbm>>
    tpu.wait_dma2 semaphore(%arg12 : memref<!tpu.dma_semaphore, #tpu.memory_space<semaphore_mem>>) src(%dma_wait3A_502 : memref<256x128xf32, #tpu.memory_space<hbm>>) dst(%arg8 : memref<256x128xf32, #tpu.memory_space<vmem>>)
    %add3A_503 = arith.constant 0 : i32
    %add3A_504 = vector.broadcast %add3A_503 : i32 to vector<16xi32>
    %add3A_505 = arith.addi %add3A_504, %iota3A : vector<16xi32>
    %gather3A_506 = tpu.vector_load_idx %arg8[%add3A_505, %broadcast_in_dim3A_56] : memref<256x128xf32, #tpu.memory_space<vmem>>[vector<16xi32>, vector<16xi32>], vector<16xf32>,
    %swap3A_507 = arith.constant 0 : index
    %swap3A_508 = tpu.vector_load %arg11[%swap3A_507] {strides = array<i32>} : memref<1024xf32, #tpu.memory_space<vmem>>, vector<16xf32>,
    tpu.vector_store %arg11[%swap3A_507], %gather3A_506 {strides = array<i32>} : memref<1024xf32, #tpu.memory_space<vmem>>, vector<16xf32>,
    %add3A_509 = arith.constant 16 : i32
    %add3A_510 = vector.broadcast %add3A_509 : i32 to vector<16xi32>
    %add3A_511 = arith.addi %add3A_510, %iota3A : vector<16xi32>
    %gather3A_512 = tpu.vector_load_idx %arg8[%add3A_511, %broadcast_in_dim3A_56] : memref<256x128xf32, #tpu.memory_space<vmem>>[vector<16xi32>, vector<16xi32>], vector<16xf32>,
    %swap3A_513 = arith.constant 16 : index
    %swap3A_514 = tpu.vector_load %arg11[%swap3A_513] {strides = array<i32>} : memref<1024xf32, #tpu.memory_space<vmem>>, vector<16xf32>,
    tpu.vector_store %arg11[%swap3A_513], %gather3A_512 {strides = array<i32>} : memref<1024xf32, #tpu.memory_space<vmem>>, vector<16xf32>,
    %add3A_515 = arith.constant 32 : i32
    %add3A_516 = vector.broadcast %add3A_515 : i32 to vector<16xi32>
    %add3A_517 = arith.addi %add3A_516, %iota3A : vector<16xi32>
    %gather3A_518 = tpu.vector_load_idx %arg8[%add3A_517, %broadcast_in_dim3A_56] : memref<256x128xf32, #tpu.memory_space<vmem>>[vector<16xi32>, vector<16xi32>], vector<16xf32>,
    %swap3A_519 = arith.constant 32 : index
    %swap3A_520 = tpu.vector_load %arg11[%swap3A_519] {strides = array<i32>} : memref<1024xf32, #tpu.memory_space<vmem>>, vector<16xf32>,
    tpu.vector_store %arg11[%swap3A_519], %gather3A_518 {strides = array<i32>} : memref<1024xf32, #tpu.memory_space<vmem>>, vector<16xf32>,
    %add3A_521 = arith.constant 48 : i32
    %add3A_522 = vector.broadcast %add3A_521 : i32 to vector<16xi32>
    %add3A_523 = arith.addi %add3A_522, %iota3A : vector<16xi32>
    %gather3A_524 = tpu.vector_load_idx %arg8[%add3A_523, %broadcast_in_dim3A_56] : memref<256x128xf32, #tpu.memory_space<vmem>>[vector<16xi32>, vector<16xi32>], vector<16xf32>,
    %swap3A_525 = arith.constant 48 : index
    %swap3A_526 = tpu.vector_load %arg11[%swap3A_525] {strides = array<i32>} : memref<1024xf32, #tpu.memory_space<vmem>>, vector<16xf32>,
    tpu.vector_store %arg11[%swap3A_525], %gather3A_524 {strides = array<i32>} : memref<1024xf32, #tpu.memory_space<vmem>>, vector<16xf32>,
    %add3A_527 = arith.constant 64 : i32
    %add3A_528 = vector.broadcast %add3A_527 : i32 to vector<16xi32>
    %add3A_529 = arith.addi %add3A_528, %iota3A : vector<16xi32>
    %gather3A_530 = tpu.vector_load_idx %arg8[%add3A_529, %broadcast_in_dim3A_56] : memref<256x128xf32, #tpu.memory_space<vmem>>[vector<16xi32>, vector<16xi32>], vector<16xf32>,
    %swap3A_531 = arith.constant 64 : index
    %swap3A_532 = tpu.vector_load %arg11[%swap3A_531] {strides = array<i32>} : memref<1024xf32, #tpu.memory_space<vmem>>, vector<16xf32>,
    tpu.vector_store %arg11[%swap3A_531], %gather3A_530 {strides = array<i32>} : memref<1024xf32, #tpu.memory_space<vmem>>, vector<16xf32>,
    %add3A_533 = arith.constant 80 : i32
    %add3A_534 = vector.broadcast %add3A_533 : i32 to vector<16xi32>
    %add3A_535 = arith.addi %add3A_534, %iota3A : vector<16xi32>
    %gather3A_536 = tpu.vector_load_idx %arg8[%add3A_535, %broadcast_in_dim3A_56] : memref<256x128xf32, #tpu.memory_space<vmem>>[vector<16xi32>, vector<16xi32>], vector<16xf32>,
    %swap3A_537 = arith.constant 80 : index
    %swap3A_538 = tpu.vector_load %arg11[%swap3A_537] {strides = array<i32>} : memref<1024xf32, #tpu.memory_space<vmem>>, vector<16xf32>,
    tpu.vector_store %arg11[%swap3A_537], %gather3A_536 {strides = array<i32>} : memref<1024xf32, #tpu.memory_space<vmem>>, vector<16xf32>,
    %add3A_539 = arith.constant 96 : i32
    %add3A_540 = vector.broadcast %add3A_539 : i32 to vector<16xi32>
    %add3A_541 = arith.addi %add3A_540, %iota3A : vector<16xi32>
    %gather3A_542 = tpu.vector_load_idx %arg8[%add3A_541, %broadcast_in_dim3A_56] : memref<256x128xf32, #tpu.memory_space<vmem>>[vector<16xi32>, vector<16xi32>], vector<16xf32>,
    %swap3A_543 = arith.constant 96 : index
    %swap3A_544 = tpu.vector_load %arg11[%swap3A_543] {strides = array<i32>} : memref<1024xf32, #tpu.memory_space<vmem>>, vector<16xf32>,
    tpu.vector_store %arg11[%swap3A_543], %gather3A_542 {strides = array<i32>} : memref<1024xf32, #tpu.memory_space<vmem>>, vector<16xf32>,
    %add3A_545 = arith.constant 112 : i32
    %add3A_546 = vector.broadcast %add3A_545 : i32 to vector<16xi32>
    %add3A_547 = arith.addi %add3A_546, %iota3A : vector<16xi32>
    %gather3A_548 = tpu.vector_load_idx %arg8[%add3A_547, %broadcast_in_dim3A_56] : memref<256x128xf32, #tpu.memory_space<vmem>>[vector<16xi32>, vector<16xi32>], vector<16xf32>,
    %swap3A_549 = arith.constant 112 : index
    %swap3A_550 = tpu.vector_load %arg11[%swap3A_549] {strides = array<i32>} : memref<1024xf32, #tpu.memory_space<vmem>>, vector<16xf32>,
    tpu.vector_store %arg11[%swap3A_549], %gather3A_548 {strides = array<i32>} : memref<1024xf32, #tpu.memory_space<vmem>>, vector<16xf32>,
    %add3A_551 = arith.constant 128 : i32
    %add3A_552 = vector.broadcast %add3A_551 : i32 to vector<16xi32>
    %add3A_553 = arith.addi %add3A_552, %iota3A : vector<16xi32>
    %gather3A_554 = tpu.vector_load_idx %arg8[%add3A_553, %broadcast_in_dim3A_56] : memref<256x128xf32, #tpu.memory_space<vmem>>[vector<16xi32>, vector<16xi32>], vector<16xf32>,
    %swap3A_555 = arith.constant 128 : index
    %swap3A_556 = tpu.vector_load %arg11[%swap3A_555] {strides = array<i32>} : memref<1024xf32, #tpu.memory_space<vmem>>, vector<16xf32>,
    tpu.vector_store %arg11[%swap3A_555], %gather3A_554 {strides = array<i32>} : memref<1024xf32, #tpu.memory_space<vmem>>, vector<16xf32>,
    %add3A_557 = arith.constant 144 : i32
    %add3A_558 = vector.broadcast %add3A_557 : i32 to vector<16xi32>
    %add3A_559 = arith.addi %add3A_558, %iota3A : vector<16xi32>
    %gather3A_560 = tpu.vector_load_idx %arg8[%add3A_559, %broadcast_in_dim3A_56] : memref<256x128xf32, #tpu.memory_space<vmem>>[vector<16xi32>, vector<16xi32>], vector<16xf32>,
    %swap3A_561 = arith.constant 144 : index
    %swap3A_562 = tpu.vector_load %arg11[%swap3A_561] {strides = array<i32>} : memref<1024xf32, #tpu.memory_space<vmem>>, vector<16xf32>,
    tpu.vector_store %arg11[%swap3A_561], %gather3A_560 {strides = array<i32>} : memref<1024xf32, #tpu.memory_space<vmem>>, vector<16xf32>,
    %add3A_563 = arith.constant 160 : i32
    %add3A_564 = vector.broadcast %add3A_563 : i32 to vector<16xi32>
    %add3A_565 = arith.addi %add3A_564, %iota3A : vector<16xi32>
    %gather3A_566 = tpu.vector_load_idx %arg8[%add3A_565, %broadcast_in_dim3A_56] : memref<256x128xf32, #tpu.memory_space<vmem>>[vector<16xi32>, vector<16xi32>], vector<16xf32>,
    %swap3A_567 = arith.constant 160 : index
    %swap3A_568 = tpu.vector_load %arg11[%swap3A_567] {strides = array<i32>} : memref<1024xf32, #tpu.memory_space<vmem>>, vector<16xf32>,
    tpu.vector_store %arg11[%swap3A_567], %gather3A_566 {strides = array<i32>} : memref<1024xf32, #tpu.memory_space<vmem>>, vector<16xf32>,
    %add3A_569 = arith.constant 176 : i32
    %add3A_570 = vector.broadcast %add3A_569 : i32 to vector<16xi32>
    %add3A_571 = arith.addi %add3A_570, %iota3A : vector<16xi32>
    %gather3A_572 = tpu.vector_load_idx %arg8[%add3A_571, %broadcast_in_dim3A_56] : memref<256x128xf32, #tpu.memory_space<vmem>>[vector<16xi32>, vector<16xi32>], vector<16xf32>,
    %swap3A_573 = arith.constant 176 : index
    %swap3A_574 = tpu.vector_load %arg11[%swap3A_573] {strides = array<i32>} : memref<1024xf32, #tpu.memory_space<vmem>>, vector<16xf32>,
    tpu.vector_store %arg11[%swap3A_573], %gather3A_572 {strides = array<i32>} : memref<1024xf32, #tpu.memory_space<vmem>>, vector<16xf32>,
    %add3A_575 = arith.constant 192 : i32
    %add3A_576 = vector.broadcast %add3A_575 : i32 to vector<16xi32>
    %add3A_577 = arith.addi %add3A_576, %iota3A : vector<16xi32>
    %gather3A_578 = tpu.vector_load_idx %arg8[%add3A_577, %broadcast_in_dim3A_56] : memref<256x128xf32, #tpu.memory_space<vmem>>[vector<16xi32>, vector<16xi32>], vector<16xf32>,
    %swap3A_579 = arith.constant 192 : index
    %swap3A_580 = tpu.vector_load %arg11[%swap3A_579] {strides = array<i32>} : memref<1024xf32, #tpu.memory_space<vmem>>, vector<16xf32>,
    tpu.vector_store %arg11[%swap3A_579], %gather3A_578 {strides = array<i32>} : memref<1024xf32, #tpu.memory_space<vmem>>, vector<16xf32>,
    %add3A_581 = arith.constant 208 : i32
    %add3A_582 = vector.broadcast %add3A_581 : i32 to vector<16xi32>
    %add3A_583 = arith.addi %add3A_582, %iota3A : vector<16xi32>
    %gather3A_584 = tpu.vector_load_idx %arg8[%add3A_583, %broadcast_in_dim3A_56] : memref<256x128xf32, #tpu.memory_space<vmem>>[vector<16xi32>, vector<16xi32>], vector<16xf32>,
    %swap3A_585 = arith.constant 208 : index
    %swap3A_586 = tpu.vector_load %arg11[%swap3A_585] {strides = array<i32>} : memref<1024xf32, #tpu.memory_space<vmem>>, vector<16xf32>,
    tpu.vector_store %arg11[%swap3A_585], %gather3A_584 {strides = array<i32>} : memref<1024xf32, #tpu.memory_space<vmem>>, vector<16xf32>,
    %add3A_587 = arith.constant 224 : i32
    %add3A_588 = vector.broadcast %add3A_587 : i32 to vector<16xi32>
    %add3A_589 = arith.addi %add3A_588, %iota3A : vector<16xi32>
    %gather3A_590 = tpu.vector_load_idx %arg8[%add3A_589, %broadcast_in_dim3A_56] : memref<256x128xf32, #tpu.memory_space<vmem>>[vector<16xi32>, vector<16xi32>], vector<16xf32>,
    %swap3A_591 = arith.constant 224 : index
    %swap3A_592 = tpu.vector_load %arg11[%swap3A_591] {strides = array<i32>} : memref<1024xf32, #tpu.memory_space<vmem>>, vector<16xf32>,
    tpu.vector_store %arg11[%swap3A_591], %gather3A_590 {strides = array<i32>} : memref<1024xf32, #tpu.memory_space<vmem>>, vector<16xf32>,
    %add3A_593 = arith.constant 240 : i32
    %add3A_594 = vector.broadcast %add3A_593 : i32 to vector<16xi32>
    %add3A_595 = arith.addi %add3A_594, %iota3A : vector<16xi32>
    %gather3A_596 = tpu.vector_load_idx %arg8[%add3A_595, %broadcast_in_dim3A_56] : memref<256x128xf32, #tpu.memory_space<vmem>>[vector<16xi32>, vector<16xi32>], vector<16xf32>,
    %swap3A_597 = arith.constant 240 : index
    %swap3A_598 = tpu.vector_load %arg11[%swap3A_597] {strides = array<i32>} : memref<1024xf32, #tpu.memory_space<vmem>>, vector<16xf32>,
    tpu.vector_store %arg11[%swap3A_597], %gather3A_596 {strides = array<i32>} : memref<1024xf32, #tpu.memory_space<vmem>>, vector<16xf32>,
    %dma_start3A_599 = arith.constant 512 : i32
    %dma_start3A_600 = tpu.memref_slice %arg3[%add3A, %dma_start3A_599, %mul3A_54] : memref<32x1024x2048xf32, #tpu.memory_space<hbm>> -> memref<1x256x128xf32, #tpu.memory_space<hbm>>
    %dma_start3A_601 = tpu.memref_squeeze %dma_start3A_600 : memref<1x256x128xf32, #tpu.memory_space<hbm>> -> memref<256x128xf32, #tpu.memory_space<hbm>>
    %dma_start3A_602 = arith.constant 512 : i32
    %dma_start3A_603 = tpu.memref_slice %arg3[%add3A, %dma_start3A_602, %mul3A_54] : memref<32x1024x2048xf32, #tpu.memory_space<hbm>> -> memref<1x256x128xf32, #tpu.memory_space<hbm>>
    %dma_start3A_604 = tpu.memref_squeeze %dma_start3A_603 : memref<1x256x128xf32, #tpu.memory_space<hbm>> -> memref<256x128xf32, #tpu.memory_space<hbm>>
    tpu.enqueue_dma source(%dma_start3A_604 : memref<256x128xf32, #tpu.memory_space<hbm>>) target(%arg8 : memref<256x128xf32, #tpu.memory_space<vmem>>) target_semaphore(%arg12 : memref<!tpu.dma_semaphore, #tpu.memory_space<semaphore_mem>>)
    %dma_wait3A_605 = arith.constant 256 : i32
    %dma_wait3A_606 = tpu.memref_slice %arg3[%add3A, %dma_wait3A_605, %mul3A_54] : memref<32x1024x2048xf32, #tpu.memory_space<hbm>> -> memref<1x256x128xf32, #tpu.memory_space<hbm>>
    %dma_wait3A_607 = tpu.memref_squeeze %dma_wait3A_606 : memref<1x256x128xf32, #tpu.memory_space<hbm>> -> memref<256x128xf32, #tpu.memory_space<hbm>>
    %dma_wait3A_608 = arith.constant 256 : i32
    %dma_wait3A_609 = tpu.memref_slice %arg3[%add3A, %dma_wait3A_608, %mul3A_54] : memref<32x1024x2048xf32, #tpu.memory_space<hbm>> -> memref<1x256x128xf32, #tpu.memory_space<hbm>>
    %dma_wait3A_610 = tpu.memref_squeeze %dma_wait3A_609 : memref<1x256x128xf32, #tpu.memory_space<hbm>> -> memref<256x128xf32, #tpu.memory_space<hbm>>
    tpu.wait_dma2 semaphore(%arg12 : memref<!tpu.dma_semaphore, #tpu.memory_space<semaphore_mem>>) src(%dma_wait3A_610 : memref<256x128xf32, #tpu.memory_space<hbm>>) dst(%arg9 : memref<256x128xf32, #tpu.memory_space<vmem>>)
    %add3A_611 = arith.constant 0 : i32
    %add3A_612 = vector.broadcast %add3A_611 : i32 to vector<16xi32>
    %add3A_613 = arith.addi %add3A_612, %iota3A : vector<16xi32>
    %gather3A_614 = tpu.vector_load_idx %arg9[%add3A_613, %broadcast_in_dim3A_56] : memref<256x128xf32, #tpu.memory_space<vmem>>[vector<16xi32>, vector<16xi32>], vector<16xf32>,
    %swap3A_615 = arith.constant 256 : index
    %swap3A_616 = tpu.vector_load %arg11[%swap3A_615] {strides = array<i32>} : memref<1024xf32, #tpu.memory_space<vmem>>, vector<16xf32>,
    tpu.vector_store %arg11[%swap3A_615], %gather3A_614 {strides = array<i32>} : memref<1024xf32, #tpu.memory_space<vmem>>, vector<16xf32>,
    %add3A_617 = arith.constant 16 : i32
    %add3A_618 = vector.broadcast %add3A_617 : i32 to vector<16xi32>
    %add3A_619 = arith.addi %add3A_618, %iota3A : vector<16xi32>
    %gather3A_620 = tpu.vector_load_idx %arg9[%add3A_619, %broadcast_in_dim3A_56] : memref<256x128xf32, #tpu.memory_space<vmem>>[vector<16xi32>, vector<16xi32>], vector<16xf32>,
    %swap3A_621 = arith.constant 272 : index
    %swap3A_622 = tpu.vector_load %arg11[%swap3A_621] {strides = array<i32>} : memref<1024xf32, #tpu.memory_space<vmem>>, vector<16xf32>,
    tpu.vector_store %arg11[%swap3A_621], %gather3A_620 {strides = array<i32>} : memref<1024xf32, #tpu.memory_space<vmem>>, vector<16xf32>,
    %add3A_623 = arith.constant 32 : i32
    %add3A_624 = vector.broadcast %add3A_623 : i32 to vector<16xi32>
    %add3A_625 = arith.addi %add3A_624, %iota3A : vector<16xi32>
    %gather3A_626 = tpu.vector_load_idx %arg9[%add3A_625, %broadcast_in_dim3A_56] : memref<256x128xf32, #tpu.memory_space<vmem>>[vector<16xi32>, vector<16xi32>], vector<16xf32>,
    %swap3A_627 = arith.constant 288 : index
    %swap3A_628 = tpu.vector_load %arg11[%swap3A_627] {strides = array<i32>} : memref<1024xf32, #tpu.memory_space<vmem>>, vector<16xf32>,
    tpu.vector_store %arg11[%swap3A_627], %gather3A_626 {strides = array<i32>} : memref<1024xf32, #tpu.memory_space<vmem>>, vector<16xf32>,
    %add3A_629 = arith.constant 48 : i32
    %add3A_630 = vector.broadcast %add3A_629 : i32 to vector<16xi32>
    %add3A_631 = arith.addi %add3A_630, %iota3A : vector<16xi32>
    %gather3A_632 = tpu.vector_load_idx %arg9[%add3A_631, %broadcast_in_dim3A_56] : memref<256x128xf32, #tpu.memory_space<vmem>>[vector<16xi32>, vector<16xi32>], vector<16xf32>,
    %swap3A_633 = arith.constant 304 : index
    %swap3A_634 = tpu.vector_load %arg11[%swap3A_633] {strides = array<i32>} : memref<1024xf32, #tpu.memory_space<vmem>>, vector<16xf32>,
    tpu.vector_store %arg11[%swap3A_633], %gather3A_632 {strides = array<i32>} : memref<1024xf32, #tpu.memory_space<vmem>>, vector<16xf32>,
    %add3A_635 = arith.constant 64 : i32
    %add3A_636 = vector.broadcast %add3A_635 : i32 to vector<16xi32>
    %add3A_637 = arith.addi %add3A_636, %iota3A : vector<16xi32>
    %gather3A_638 = tpu.vector_load_idx %arg9[%add3A_637, %broadcast_in_dim3A_56] : memref<256x128xf32, #tpu.memory_space<vmem>>[vector<16xi32>, vector<16xi32>], vector<16xf32>,
    %swap3A_639 = arith.constant 320 : index
    %swap3A_640 = tpu.vector_load %arg11[%swap3A_639] {strides = array<i32>} : memref<1024xf32, #tpu.memory_space<vmem>>, vector<16xf32>,
    tpu.vector_store %arg11[%swap3A_639], %gather3A_638 {strides = array<i32>} : memref<1024xf32, #tpu.memory_space<vmem>>, vector<16xf32>,
    %add3A_641 = arith.constant 80 : i32
    %add3A_642 = vector.broadcast %add3A_641 : i32 to vector<16xi32>
    %add3A_643 = arith.addi %add3A_642, %iota3A : vector<16xi32>
    %gather3A_644 = tpu.vector_load_idx %arg9[%add3A_643, %broadcast_in_dim3A_56] : memref<256x128xf32, #tpu.memory_space<vmem>>[vector<16xi32>, vector<16xi32>], vector<16xf32>,
    %swap3A_645 = arith.constant 336 : index
    %swap3A_646 = tpu.vector_load %arg11[%swap3A_645] {strides = array<i32>} : memref<1024xf32, #tpu.memory_space<vmem>>, vector<16xf32>,
    tpu.vector_store %arg11[%swap3A_645], %gather3A_644 {strides = array<i32>} : memref<1024xf32, #tpu.memory_space<vmem>>, vector<16xf32>,
    %add3A_647 = arith.constant 96 : i32
    %add3A_648 = vector.broadcast %add3A_647 : i32 to vector<16xi32>
    %add3A_649 = arith.addi %add3A_648, %iota3A : vector<16xi32>
    %gather3A_650 = tpu.vector_load_idx %arg9[%add3A_649, %broadcast_in_dim3A_56] : memref<256x128xf32, #tpu.memory_space<vmem>>[vector<16xi32>, vector<16xi32>], vector<16xf32>,
    %swap3A_651 = arith.constant 352 : index
    %swap3A_652 = tpu.vector_load %arg11[%swap3A_651] {strides = array<i32>} : memref<1024xf32, #tpu.memory_space<vmem>>, vector<16xf32>,
    tpu.vector_store %arg11[%swap3A_651], %gather3A_650 {strides = array<i32>} : memref<1024xf32, #tpu.memory_space<vmem>>, vector<16xf32>,
    %add3A_653 = arith.constant 112 : i32
    %add3A_654 = vector.broadcast %add3A_653 : i32 to vector<16xi32>
    %add3A_655 = arith.addi %add3A_654, %iota3A : vector<16xi32>
    %gather3A_656 = tpu.vector_load_idx %arg9[%add3A_655, %broadcast_in_dim3A_56] : memref<256x128xf32, #tpu.memory_space<vmem>>[vector<16xi32>, vector<16xi32>], vector<16xf32>,
    %swap3A_657 = arith.constant 368 : index
    %swap3A_658 = tpu.vector_load %arg11[%swap3A_657] {strides = array<i32>} : memref<1024xf32, #tpu.memory_space<vmem>>, vector<16xf32>,
    tpu.vector_store %arg11[%swap3A_657], %gather3A_656 {strides = array<i32>} : memref<1024xf32, #tpu.memory_space<vmem>>, vector<16xf32>,
    %add3A_659 = arith.constant 128 : i32
    %add3A_660 = vector.broadcast %add3A_659 : i32 to vector<16xi32>
    %add3A_661 = arith.addi %add3A_660, %iota3A : vector<16xi32>
    %gather3A_662 = tpu.vector_load_idx %arg9[%add3A_661, %broadcast_in_dim3A_56] : memref<256x128xf32, #tpu.memory_space<vmem>>[vector<16xi32>, vector<16xi32>], vector<16xf32>,
    %swap3A_663 = arith.constant 384 : index
    %swap3A_664 = tpu.vector_load %arg11[%swap3A_663] {strides = array<i32>} : memref<1024xf32, #tpu.memory_space<vmem>>, vector<16xf32>,
    tpu.vector_store %arg11[%swap3A_663], %gather3A_662 {strides = array<i32>} : memref<1024xf32, #tpu.memory_space<vmem>>, vector<16xf32>,
    %add3A_665 = arith.constant 144 : i32
    %add3A_666 = vector.broadcast %add3A_665 : i32 to vector<16xi32>
    %add3A_667 = arith.addi %add3A_666, %iota3A : vector<16xi32>
    %gather3A_668 = tpu.vector_load_idx %arg9[%add3A_667, %broadcast_in_dim3A_56] : memref<256x128xf32, #tpu.memory_space<vmem>>[vector<16xi32>, vector<16xi32>], vector<16xf32>,
    %swap3A_669 = arith.constant 400 : index
    %swap3A_670 = tpu.vector_load %arg11[%swap3A_669] {strides = array<i32>} : memref<1024xf32, #tpu.memory_space<vmem>>, vector<16xf32>,
    tpu.vector_store %arg11[%swap3A_669], %gather3A_668 {strides = array<i32>} : memref<1024xf32, #tpu.memory_space<vmem>>, vector<16xf32>,
    %add3A_671 = arith.constant 160 : i32
    %add3A_672 = vector.broadcast %add3A_671 : i32 to vector<16xi32>
    %add3A_673 = arith.addi %add3A_672, %iota3A : vector<16xi32>
    %gather3A_674 = tpu.vector_load_idx %arg9[%add3A_673, %broadcast_in_dim3A_56] : memref<256x128xf32, #tpu.memory_space<vmem>>[vector<16xi32>, vector<16xi32>], vector<16xf32>,
    %swap3A_675 = arith.constant 416 : index
    %swap3A_676 = tpu.vector_load %arg11[%swap3A_675] {strides = array<i32>} : memref<1024xf32, #tpu.memory_space<vmem>>, vector<16xf32>,
    tpu.vector_store %arg11[%swap3A_675], %gather3A_674 {strides = array<i32>} : memref<1024xf32, #tpu.memory_space<vmem>>, vector<16xf32>,
    %add3A_677 = arith.constant 176 : i32
    %add3A_678 = vector.broadcast %add3A_677 : i32 to vector<16xi32>
    %add3A_679 = arith.addi %add3A_678, %iota3A : vector<16xi32>
    %gather3A_680 = tpu.vector_load_idx %arg9[%add3A_679, %broadcast_in_dim3A_56] : memref<256x128xf32, #tpu.memory_space<vmem>>[vector<16xi32>, vector<16xi32>], vector<16xf32>,
    %swap3A_681 = arith.constant 432 : index
    %swap3A_682 = tpu.vector_load %arg11[%swap3A_681] {strides = array<i32>} : memref<1024xf32, #tpu.memory_space<vmem>>, vector<16xf32>,
    tpu.vector_store %arg11[%swap3A_681], %gather3A_680 {strides = array<i32>} : memref<1024xf32, #tpu.memory_space<vmem>>, vector<16xf32>,
    %add3A_683 = arith.constant 192 : i32
    %add3A_684 = vector.broadcast %add3A_683 : i32 to vector<16xi32>
    %add3A_685 = arith.addi %add3A_684, %iota3A : vector<16xi32>
    %gather3A_686 = tpu.vector_load_idx %arg9[%add3A_685, %broadcast_in_dim3A_56] : memref<256x128xf32, #tpu.memory_space<vmem>>[vector<16xi32>, vector<16xi32>], vector<16xf32>,
    %swap3A_687 = arith.constant 448 : index
    %swap3A_688 = tpu.vector_load %arg11[%swap3A_687] {strides = array<i32>} : memref<1024xf32, #tpu.memory_space<vmem>>, vector<16xf32>,
    tpu.vector_store %arg11[%swap3A_687], %gather3A_686 {strides = array<i32>} : memref<1024xf32, #tpu.memory_space<vmem>>, vector<16xf32>,
    %add3A_689 = arith.constant 208 : i32
    %add3A_690 = vector.broadcast %add3A_689 : i32 to vector<16xi32>
    %add3A_691 = arith.addi %add3A_690, %iota3A : vector<16xi32>
    %gather3A_692 = tpu.vector_load_idx %arg9[%add3A_691, %broadcast_in_dim3A_56] : memref<256x128xf32, #tpu.memory_space<vmem>>[vector<16xi32>, vector<16xi32>], vector<16xf32>,
    %swap3A_693 = arith.constant 464 : index
    %swap3A_694 = tpu.vector_load %arg11[%swap3A_693] {strides = array<i32>} : memref<1024xf32, #tpu.memory_space<vmem>>, vector<16xf32>,
    tpu.vector_store %arg11[%swap3A_693], %gather3A_692 {strides = array<i32>} : memref<1024xf32, #tpu.memory_space<vmem>>, vector<16xf32>,
    %add3A_695 = arith.constant 224 : i32
    %add3A_696 = vector.broadcast %add3A_695 : i32 to vector<16xi32>
    %add3A_697 = arith.addi %add3A_696, %iota3A : vector<16xi32>
    %gather3A_698 = tpu.vector_load_idx %arg9[%add3A_697, %broadcast_in_dim3A_56] : memref<256x128xf32, #tpu.memory_space<vmem>>[vector<16xi32>, vector<16xi32>], vector<16xf32>,
    %swap3A_699 = arith.constant 480 : index
    %swap3A_700 = tpu.vector_load %arg11[%swap3A_699] {strides = array<i32>} : memref<1024xf32, #tpu.memory_space<vmem>>, vector<16xf32>,
    tpu.vector_store %arg11[%swap3A_699], %gather3A_698 {strides = array<i32>} : memref<1024xf32, #tpu.memory_space<vmem>>, vector<16xf32>,
    %add3A_701 = arith.constant 240 : i32
    %add3A_702 = vector.broadcast %add3A_701 : i32 to vector<16xi32>
    %add3A_703 = arith.addi %add3A_702, %iota3A : vector<16xi32>
    %gather3A_704 = tpu.vector_load_idx %arg9[%add3A_703, %broadcast_in_dim3A_56] : memref<256x128xf32, #tpu.memory_space<vmem>>[vector<16xi32>, vector<16xi32>], vector<16xf32>,
    %swap3A_705 = arith.constant 496 : index
    %swap3A_706 = tpu.vector_load %arg11[%swap3A_705] {strides = array<i32>} : memref<1024xf32, #tpu.memory_space<vmem>>, vector<16xf32>,
    tpu.vector_store %arg11[%swap3A_705], %gather3A_704 {strides = array<i32>} : memref<1024xf32, #tpu.memory_space<vmem>>, vector<16xf32>,
    %dma_start3A_707 = arith.constant 768 : i32
    %dma_start3A_708 = tpu.memref_slice %arg3[%add3A, %dma_start3A_707, %mul3A_54] : memref<32x1024x2048xf32, #tpu.memory_space<hbm>> -> memref<1x256x128xf32, #tpu.memory_space<hbm>>
    %dma_start3A_709 = tpu.memref_squeeze %dma_start3A_708 : memref<1x256x128xf32, #tpu.memory_space<hbm>> -> memref<256x128xf32, #tpu.memory_space<hbm>>
    %dma_start3A_710 = arith.constant 768 : i32
    %dma_start3A_711 = tpu.memref_slice %arg3[%add3A, %dma_start3A_710, %mul3A_54] : memref<32x1024x2048xf32, #tpu.memory_space<hbm>> -> memref<1x256x128xf32, #tpu.memory_space<hbm>>
    %dma_start3A_712 = tpu.memref_squeeze %dma_start3A_711 : memref<1x256x128xf32, #tpu.memory_space<hbm>> -> memref<256x128xf32, #tpu.memory_space<hbm>>
    tpu.enqueue_dma source(%dma_start3A_712 : memref<256x128xf32, #tpu.memory_space<hbm>>) target(%arg9 : memref<256x128xf32, #tpu.memory_space<vmem>>) target_semaphore(%arg12 : memref<!tpu.dma_semaphore, #tpu.memory_space<semaphore_mem>>)
    %dma_wait3A_713 = arith.constant 512 : i32
    %dma_wait3A_714 = tpu.memref_slice %arg3[%add3A, %dma_wait3A_713, %mul3A_54] : memref<32x1024x2048xf32, #tpu.memory_space<hbm>> -> memref<1x256x128xf32, #tpu.memory_space<hbm>>
    %dma_wait3A_715 = tpu.memref_squeeze %dma_wait3A_714 : memref<1x256x128xf32, #tpu.memory_space<hbm>> -> memref<256x128xf32, #tpu.memory_space<hbm>>
    %dma_wait3A_716 = arith.constant 512 : i32
    %dma_wait3A_717 = tpu.memref_slice %arg3[%add3A, %dma_wait3A_716, %mul3A_54] : memref<32x1024x2048xf32, #tpu.memory_space<hbm>> -> memref<1x256x128xf32, #tpu.memory_space<hbm>>
    %dma_wait3A_718 = tpu.memref_squeeze %dma_wait3A_717 : memref<1x256x128xf32, #tpu.memory_space<hbm>> -> memref<256x128xf32, #tpu.memory_space<hbm>>
    tpu.wait_dma2 semaphore(%arg12 : memref<!tpu.dma_semaphore, #tpu.memory_space<semaphore_mem>>) src(%dma_wait3A_718 : memref<256x128xf32, #tpu.memory_space<hbm>>) dst(%arg8 : memref<256x128xf32, #tpu.memory_space<vmem>>)
    %add3A_719 = arith.constant 0 : i32
    %add3A_720 = vector.broadcast %add3A_719 : i32 to vector<16xi32>
    %add3A_721 = arith.addi %add3A_720, %iota3A : vector<16xi32>
    %gather3A_722 = tpu.vector_load_idx %arg8[%add3A_721, %broadcast_in_dim3A_56] : memref<256x128xf32, #tpu.memory_space<vmem>>[vector<16xi32>, vector<16xi32>], vector<16xf32>,
    %swap3A_723 = arith.constant 512 : index
    %swap3A_724 = tpu.vector_load %arg11[%swap3A_723] {strides = array<i32>} : memref<1024xf32, #tpu.memory_space<vmem>>, vector<16xf32>,
    tpu.vector_store %arg11[%swap3A_723], %gather3A_722 {strides = array<i32>} : memref<1024xf32, #tpu.memory_space<vmem>>, vector<16xf32>,
    %add3A_725 = arith.constant 16 : i32
    %add3A_726 = vector.broadcast %add3A_725 : i32 to vector<16xi32>
    %add3A_727 = arith.addi %add3A_726, %iota3A : vector<16xi32>
    %gather3A_728 = tpu.vector_load_idx %arg8[%add3A_727, %broadcast_in_dim3A_56] : memref<256x128xf32, #tpu.memory_space<vmem>>[vector<16xi32>, vector<16xi32>], vector<16xf32>,
    %swap3A_729 = arith.constant 528 : index
    %swap3A_730 = tpu.vector_load %arg11[%swap3A_729] {strides = array<i32>} : memref<1024xf32, #tpu.memory_space<vmem>>, vector<16xf32>,
    tpu.vector_store %arg11[%swap3A_729], %gather3A_728 {strides = array<i32>} : memref<1024xf32, #tpu.memory_space<vmem>>, vector<16xf32>,
    %add3A_731 = arith.constant 32 : i32
    %add3A_732 = vector.broadcast %add3A_731 : i32 to vector<16xi32>
    %add3A_733 = arith.addi %add3A_732, %iota3A : vector<16xi32>
    %gather3A_734 = tpu.vector_load_idx %arg8[%add3A_733, %broadcast_in_dim3A_56] : memref<256x128xf32, #tpu.memory_space<vmem>>[vector<16xi32>, vector<16xi32>], vector<16xf32>,
    %swap3A_735 = arith.constant 544 : index
    %swap3A_736 = tpu.vector_load %arg11[%swap3A_735] {strides = array<i32>} : memref<1024xf32, #tpu.memory_space<vmem>>, vector<16xf32>,
    tpu.vector_store %arg11[%swap3A_735], %gather3A_734 {strides = array<i32>} : memref<1024xf32, #tpu.memory_space<vmem>>, vector<16xf32>,
    %add3A_737 = arith.constant 48 : i32
    %add3A_738 = vector.broadcast %add3A_737 : i32 to vector<16xi32>
    %add3A_739 = arith.addi %add3A_738, %iota3A : vector<16xi32>
    %gather3A_740 = tpu.vector_load_idx %arg8[%add3A_739, %broadcast_in_dim3A_56] : memref<256x128xf32, #tpu.memory_space<vmem>>[vector<16xi32>, vector<16xi32>], vector<16xf32>,
    %swap3A_741 = arith.constant 560 : index
    %swap3A_742 = tpu.vector_load %arg11[%swap3A_741] {strides = array<i32>} : memref<1024xf32, #tpu.memory_space<vmem>>, vector<16xf32>,
    tpu.vector_store %arg11[%swap3A_741], %gather3A_740 {strides = array<i32>} : memref<1024xf32, #tpu.memory_space<vmem>>, vector<16xf32>,
    %add3A_743 = arith.constant 64 : i32
    %add3A_744 = vector.broadcast %add3A_743 : i32 to vector<16xi32>
    %add3A_745 = arith.addi %add3A_744, %iota3A : vector<16xi32>
    %gather3A_746 = tpu.vector_load_idx %arg8[%add3A_745, %broadcast_in_dim3A_56] : memref<256x128xf32, #tpu.memory_space<vmem>>[vector<16xi32>, vector<16xi32>], vector<16xf32>,
    %swap3A_747 = arith.constant 576 : index
    %swap3A_748 = tpu.vector_load %arg11[%swap3A_747] {strides = array<i32>} : memref<1024xf32, #tpu.memory_space<vmem>>, vector<16xf32>,
    tpu.vector_store %arg11[%swap3A_747], %gather3A_746 {strides = array<i32>} : memref<1024xf32, #tpu.memory_space<vmem>>, vector<16xf32>,
    %add3A_749 = arith.constant 80 : i32
    %add3A_750 = vector.broadcast %add3A_749 : i32 to vector<16xi32>
    %add3A_751 = arith.addi %add3A_750, %iota3A : vector<16xi32>
    %gather3A_752 = tpu.vector_load_idx %arg8[%add3A_751, %broadcast_in_dim3A_56] : memref<256x128xf32, #tpu.memory_space<vmem>>[vector<16xi32>, vector<16xi32>], vector<16xf32>,
    %swap3A_753 = arith.constant 592 : index
    %swap3A_754 = tpu.vector_load %arg11[%swap3A_753] {strides = array<i32>} : memref<1024xf32, #tpu.memory_space<vmem>>, vector<16xf32>,
    tpu.vector_store %arg11[%swap3A_753], %gather3A_752 {strides = array<i32>} : memref<1024xf32, #tpu.memory_space<vmem>>, vector<16xf32>,
    %add3A_755 = arith.constant 96 : i32
    %add3A_756 = vector.broadcast %add3A_755 : i32 to vector<16xi32>
    %add3A_757 = arith.addi %add3A_756, %iota3A : vector<16xi32>
    %gather3A_758 = tpu.vector_load_idx %arg8[%add3A_757, %broadcast_in_dim3A_56] : memref<256x128xf32, #tpu.memory_space<vmem>>[vector<16xi32>, vector<16xi32>], vector<16xf32>,
    %swap3A_759 = arith.constant 608 : index
    %swap3A_760 = tpu.vector_load %arg11[%swap3A_759] {strides = array<i32>} : memref<1024xf32, #tpu.memory_space<vmem>>, vector<16xf32>,
    tpu.vector_store %arg11[%swap3A_759], %gather3A_758 {strides = array<i32>} : memref<1024xf32, #tpu.memory_space<vmem>>, vector<16xf32>,
    %add3A_761 = arith.constant 112 : i32
    %add3A_762 = vector.broadcast %add3A_761 : i32 to vector<16xi32>
    %add3A_763 = arith.addi %add3A_762, %iota3A : vector<16xi32>
    %gather3A_764 = tpu.vector_load_idx %arg8[%add3A_763, %broadcast_in_dim3A_56] : memref<256x128xf32, #tpu.memory_space<vmem>>[vector<16xi32>, vector<16xi32>], vector<16xf32>,
    %swap3A_765 = arith.constant 624 : index
    %swap3A_766 = tpu.vector_load %arg11[%swap3A_765] {strides = array<i32>} : memref<1024xf32, #tpu.memory_space<vmem>>, vector<16xf32>,
    tpu.vector_store %arg11[%swap3A_765], %gather3A_764 {strides = array<i32>} : memref<1024xf32, #tpu.memory_space<vmem>>, vector<16xf32>,
    %add3A_767 = arith.constant 128 : i32
    %add3A_768 = vector.broadcast %add3A_767 : i32 to vector<16xi32>
    %add3A_769 = arith.addi %add3A_768, %iota3A : vector<16xi32>
    %gather3A_770 = tpu.vector_load_idx %arg8[%add3A_769, %broadcast_in_dim3A_56] : memref<256x128xf32, #tpu.memory_space<vmem>>[vector<16xi32>, vector<16xi32>], vector<16xf32>,
    %swap3A_771 = arith.constant 640 : index
    %swap3A_772 = tpu.vector_load %arg11[%swap3A_771] {strides = array<i32>} : memref<1024xf32, #tpu.memory_space<vmem>>, vector<16xf32>,
    tpu.vector_store %arg11[%swap3A_771], %gather3A_770 {strides = array<i32>} : memref<1024xf32, #tpu.memory_space<vmem>>, vector<16xf32>,
    %add3A_773 = arith.constant 144 : i32
    %add3A_774 = vector.broadcast %add3A_773 : i32 to vector<16xi32>
    %add3A_775 = arith.addi %add3A_774, %iota3A : vector<16xi32>
    %gather3A_776 = tpu.vector_load_idx %arg8[%add3A_775, %broadcast_in_dim3A_56] : memref<256x128xf32, #tpu.memory_space<vmem>>[vector<16xi32>, vector<16xi32>], vector<16xf32>,
    %swap3A_777 = arith.constant 656 : index
    %swap3A_778 = tpu.vector_load %arg11[%swap3A_777] {strides = array<i32>} : memref<1024xf32, #tpu.memory_space<vmem>>, vector<16xf32>,
    tpu.vector_store %arg11[%swap3A_777], %gather3A_776 {strides = array<i32>} : memref<1024xf32, #tpu.memory_space<vmem>>, vector<16xf32>,
    %add3A_779 = arith.constant 160 : i32
    %add3A_780 = vector.broadcast %add3A_779 : i32 to vector<16xi32>
    %add3A_781 = arith.addi %add3A_780, %iota3A : vector<16xi32>
    %gather3A_782 = tpu.vector_load_idx %arg8[%add3A_781, %broadcast_in_dim3A_56] : memref<256x128xf32, #tpu.memory_space<vmem>>[vector<16xi32>, vector<16xi32>], vector<16xf32>,
    %swap3A_783 = arith.constant 672 : index
    %swap3A_784 = tpu.vector_load %arg11[%swap3A_783] {strides = array<i32>} : memref<1024xf32, #tpu.memory_space<vmem>>, vector<16xf32>,
    tpu.vector_store %arg11[%swap3A_783], %gather3A_782 {strides = array<i32>} : memref<1024xf32, #tpu.memory_space<vmem>>, vector<16xf32>,
    %add3A_785 = arith.constant 176 : i32
    %add3A_786 = vector.broadcast %add3A_785 : i32 to vector<16xi32>
    %add3A_787 = arith.addi %add3A_786, %iota3A : vector<16xi32>
    %gather3A_788 = tpu.vector_load_idx %arg8[%add3A_787, %broadcast_in_dim3A_56] : memref<256x128xf32, #tpu.memory_space<vmem>>[vector<16xi32>, vector<16xi32>], vector<16xf32>,
    %swap3A_789 = arith.constant 688 : index
    %swap3A_790 = tpu.vector_load %arg11[%swap3A_789] {strides = array<i32>} : memref<1024xf32, #tpu.memory_space<vmem>>, vector<16xf32>,
    tpu.vector_store %arg11[%swap3A_789], %gather3A_788 {strides = array<i32>} : memref<1024xf32, #tpu.memory_space<vmem>>, vector<16xf32>,
    %add3A_791 = arith.constant 192 : i32
    %add3A_792 = vector.broadcast %add3A_791 : i32 to vector<16xi32>
    %add3A_793 = arith.addi %add3A_792, %iota3A : vector<16xi32>
    %gather3A_794 = tpu.vector_load_idx %arg8[%add3A_793, %broadcast_in_dim3A_56] : memref<256x128xf32, #tpu.memory_space<vmem>>[vector<16xi32>, vector<16xi32>], vector<16xf32>,
    %swap3A_795 = arith.constant 704 : index
    %swap3A_796 = tpu.vector_load %arg11[%swap3A_795] {strides = array<i32>} : memref<1024xf32, #tpu.memory_space<vmem>>, vector<16xf32>,
    tpu.vector_store %arg11[%swap3A_795], %gather3A_794 {strides = array<i32>} : memref<1024xf32, #tpu.memory_space<vmem>>, vector<16xf32>,
    %add3A_797 = arith.constant 208 : i32
    %add3A_798 = vector.broadcast %add3A_797 : i32 to vector<16xi32>
    %add3A_799 = arith.addi %add3A_798, %iota3A : vector<16xi32>
    %gather3A_800 = tpu.vector_load_idx %arg8[%add3A_799, %broadcast_in_dim3A_56] : memref<256x128xf32, #tpu.memory_space<vmem>>[vector<16xi32>, vector<16xi32>], vector<16xf32>,
    %swap3A_801 = arith.constant 720 : index
    %swap3A_802 = tpu.vector_load %arg11[%swap3A_801] {strides = array<i32>} : memref<1024xf32, #tpu.memory_space<vmem>>, vector<16xf32>,
    tpu.vector_store %arg11[%swap3A_801], %gather3A_800 {strides = array<i32>} : memref<1024xf32, #tpu.memory_space<vmem>>, vector<16xf32>,
    %add3A_803 = arith.constant 224 : i32
    %add3A_804 = vector.broadcast %add3A_803 : i32 to vector<16xi32>
    %add3A_805 = arith.addi %add3A_804, %iota3A : vector<16xi32>
    %gather3A_806 = tpu.vector_load_idx %arg8[%add3A_805, %broadcast_in_dim3A_56] : memref<256x128xf32, #tpu.memory_space<vmem>>[vector<16xi32>, vector<16xi32>], vector<16xf32>,
    %swap3A_807 = arith.constant 736 : index
    %swap3A_808 = tpu.vector_load %arg11[%swap3A_807] {strides = array<i32>} : memref<1024xf32, #tpu.memory_space<vmem>>, vector<16xf32>,
    tpu.vector_store %arg11[%swap3A_807], %gather3A_806 {strides = array<i32>} : memref<1024xf32, #tpu.memory_space<vmem>>, vector<16xf32>,
    %add3A_809 = arith.constant 240 : i32
    %add3A_810 = vector.broadcast %add3A_809 : i32 to vector<16xi32>
    %add3A_811 = arith.addi %add3A_810, %iota3A : vector<16xi32>
    %gather3A_812 = tpu.vector_load_idx %arg8[%add3A_811, %broadcast_in_dim3A_56] : memref<256x128xf32, #tpu.memory_space<vmem>>[vector<16xi32>, vector<16xi32>], vector<16xf32>,
    %swap3A_813 = arith.constant 752 : index
    %swap3A_814 = tpu.vector_load %arg11[%swap3A_813] {strides = array<i32>} : memref<1024xf32, #tpu.memory_space<vmem>>, vector<16xf32>,
    tpu.vector_store %arg11[%swap3A_813], %gather3A_812 {strides = array<i32>} : memref<1024xf32, #tpu.memory_space<vmem>>, vector<16xf32>,
    %dma_wait3A_815 = arith.constant 768 : i32
    %dma_wait3A_816 = tpu.memref_slice %arg3[%add3A, %dma_wait3A_815, %mul3A_54] : memref<32x1024x2048xf32, #tpu.memory_space<hbm>> -> memref<1x256x128xf32, #tpu.memory_space<hbm>>
    %dma_wait3A_817 = tpu.memref_squeeze %dma_wait3A_816 : memref<1x256x128xf32, #tpu.memory_space<hbm>> -> memref<256x128xf32, #tpu.memory_space<hbm>>
    %dma_wait3A_818 = arith.constant 768 : i32
    %dma_wait3A_819 = tpu.memref_slice %arg3[%add3A, %dma_wait3A_818, %mul3A_54] : memref<32x1024x2048xf32, #tpu.memory_space<hbm>> -> memref<1x256x128xf32, #tpu.memory_space<hbm>>
    %dma_wait3A_820 = tpu.memref_squeeze %dma_wait3A_819 : memref<1x256x128xf32, #tpu.memory_space<hbm>> -> memref<256x128xf32, #tpu.memory_space<hbm>>
    tpu.wait_dma2 semaphore(%arg12 : memref<!tpu.dma_semaphore, #tpu.memory_space<semaphore_mem>>) src(%dma_wait3A_820 : memref<256x128xf32, #tpu.memory_space<hbm>>) dst(%arg9 : memref<256x128xf32, #tpu.memory_space<vmem>>)
    %add3A_821 = arith.constant 0 : i32
    %add3A_822 = vector.broadcast %add3A_821 : i32 to vector<16xi32>
    %add3A_823 = arith.addi %add3A_822, %iota3A : vector<16xi32>
    %gather3A_824 = tpu.vector_load_idx %arg9[%add3A_823, %broadcast_in_dim3A_56] : memref<256x128xf32, #tpu.memory_space<vmem>>[vector<16xi32>, vector<16xi32>], vector<16xf32>,
    %swap3A_825 = arith.constant 768 : index
    %swap3A_826 = tpu.vector_load %arg11[%swap3A_825] {strides = array<i32>} : memref<1024xf32, #tpu.memory_space<vmem>>, vector<16xf32>,
    tpu.vector_store %arg11[%swap3A_825], %gather3A_824 {strides = array<i32>} : memref<1024xf32, #tpu.memory_space<vmem>>, vector<16xf32>,
    %add3A_827 = arith.constant 16 : i32
    %add3A_828 = vector.broadcast %add3A_827 : i32 to vector<16xi32>
    %add3A_829 = arith.addi %add3A_828, %iota3A : vector<16xi32>
    %gather3A_830 = tpu.vector_load_idx %arg9[%add3A_829, %broadcast_in_dim3A_56] : memref<256x128xf32, #tpu.memory_space<vmem>>[vector<16xi32>, vector<16xi32>], vector<16xf32>,
    %swap3A_831 = arith.constant 784 : index
    %swap3A_832 = tpu.vector_load %arg11[%swap3A_831] {strides = array<i32>} : memref<1024xf32, #tpu.memory_space<vmem>>, vector<16xf32>,
    tpu.vector_store %arg11[%swap3A_831], %gather3A_830 {strides = array<i32>} : memref<1024xf32, #tpu.memory_space<vmem>>, vector<16xf32>,
    %add3A_833 = arith.constant 32 : i32
    %add3A_834 = vector.broadcast %add3A_833 : i32 to vector<16xi32>
    %add3A_835 = arith.addi %add3A_834, %iota3A : vector<16xi32>
    %gather3A_836 = tpu.vector_load_idx %arg9[%add3A_835, %broadcast_in_dim3A_56] : memref<256x128xf32, #tpu.memory_space<vmem>>[vector<16xi32>, vector<16xi32>], vector<16xf32>,
    %swap3A_837 = arith.constant 800 : index
    %swap3A_838 = tpu.vector_load %arg11[%swap3A_837] {strides = array<i32>} : memref<1024xf32, #tpu.memory_space<vmem>>, vector<16xf32>,
    tpu.vector_store %arg11[%swap3A_837], %gather3A_836 {strides = array<i32>} : memref<1024xf32, #tpu.memory_space<vmem>>, vector<16xf32>,
    %add3A_839 = arith.constant 48 : i32
    %add3A_840 = vector.broadcast %add3A_839 : i32 to vector<16xi32>
    %add3A_841 = arith.addi %add3A_840, %iota3A : vector<16xi32>
    %gather3A_842 = tpu.vector_load_idx %arg9[%add3A_841, %broadcast_in_dim3A_56] : memref<256x128xf32, #tpu.memory_space<vmem>>[vector<16xi32>, vector<16xi32>], vector<16xf32>,
    %swap3A_843 = arith.constant 816 : index
    %swap3A_844 = tpu.vector_load %arg11[%swap3A_843] {strides = array<i32>} : memref<1024xf32, #tpu.memory_space<vmem>>, vector<16xf32>,
    tpu.vector_store %arg11[%swap3A_843], %gather3A_842 {strides = array<i32>} : memref<1024xf32, #tpu.memory_space<vmem>>, vector<16xf32>,
    %add3A_845 = arith.constant 64 : i32
    %add3A_846 = vector.broadcast %add3A_845 : i32 to vector<16xi32>
    %add3A_847 = arith.addi %add3A_846, %iota3A : vector<16xi32>
    %gather3A_848 = tpu.vector_load_idx %arg9[%add3A_847, %broadcast_in_dim3A_56] : memref<256x128xf32, #tpu.memory_space<vmem>>[vector<16xi32>, vector<16xi32>], vector<16xf32>,
    %swap3A_849 = arith.constant 832 : index
    %swap3A_850 = tpu.vector_load %arg11[%swap3A_849] {strides = array<i32>} : memref<1024xf32, #tpu.memory_space<vmem>>, vector<16xf32>,
    tpu.vector_store %arg11[%swap3A_849], %gather3A_848 {strides = array<i32>} : memref<1024xf32, #tpu.memory_space<vmem>>, vector<16xf32>,
    %add3A_851 = arith.constant 80 : i32
    %add3A_852 = vector.broadcast %add3A_851 : i32 to vector<16xi32>
    %add3A_853 = arith.addi %add3A_852, %iota3A : vector<16xi32>
    %gather3A_854 = tpu.vector_load_idx %arg9[%add3A_853, %broadcast_in_dim3A_56] : memref<256x128xf32, #tpu.memory_space<vmem>>[vector<16xi32>, vector<16xi32>], vector<16xf32>,
    %swap3A_855 = arith.constant 848 : index
    %swap3A_856 = tpu.vector_load %arg11[%swap3A_855] {strides = array<i32>} : memref<1024xf32, #tpu.memory_space<vmem>>, vector<16xf32>,
    tpu.vector_store %arg11[%swap3A_855], %gather3A_854 {strides = array<i32>} : memref<1024xf32, #tpu.memory_space<vmem>>, vector<16xf32>,
    %add3A_857 = arith.constant 96 : i32
    %add3A_858 = vector.broadcast %add3A_857 : i32 to vector<16xi32>
    %add3A_859 = arith.addi %add3A_858, %iota3A : vector<16xi32>
    %gather3A_860 = tpu.vector_load_idx %arg9[%add3A_859, %broadcast_in_dim3A_56] : memref<256x128xf32, #tpu.memory_space<vmem>>[vector<16xi32>, vector<16xi32>], vector<16xf32>,
    %swap3A_861 = arith.constant 864 : index
    %swap3A_862 = tpu.vector_load %arg11[%swap3A_861] {strides = array<i32>} : memref<1024xf32, #tpu.memory_space<vmem>>, vector<16xf32>,
    tpu.vector_store %arg11[%swap3A_861], %gather3A_860 {strides = array<i32>} : memref<1024xf32, #tpu.memory_space<vmem>>, vector<16xf32>,
    %add3A_863 = arith.constant 112 : i32
    %add3A_864 = vector.broadcast %add3A_863 : i32 to vector<16xi32>
    %add3A_865 = arith.addi %add3A_864, %iota3A : vector<16xi32>
    %gather3A_866 = tpu.vector_load_idx %arg9[%add3A_865, %broadcast_in_dim3A_56] : memref<256x128xf32, #tpu.memory_space<vmem>>[vector<16xi32>, vector<16xi32>], vector<16xf32>,
    %swap3A_867 = arith.constant 880 : index
    %swap3A_868 = tpu.vector_load %arg11[%swap3A_867] {strides = array<i32>} : memref<1024xf32, #tpu.memory_space<vmem>>, vector<16xf32>,
    tpu.vector_store %arg11[%swap3A_867], %gather3A_866 {strides = array<i32>} : memref<1024xf32, #tpu.memory_space<vmem>>, vector<16xf32>,
    %add3A_869 = arith.constant 128 : i32
    %add3A_870 = vector.broadcast %add3A_869 : i32 to vector<16xi32>
    %add3A_871 = arith.addi %add3A_870, %iota3A : vector<16xi32>
    %gather3A_872 = tpu.vector_load_idx %arg9[%add3A_871, %broadcast_in_dim3A_56] : memref<256x128xf32, #tpu.memory_space<vmem>>[vector<16xi32>, vector<16xi32>], vector<16xf32>,
    %swap3A_873 = arith.constant 896 : index
    %swap3A_874 = tpu.vector_load %arg11[%swap3A_873] {strides = array<i32>} : memref<1024xf32, #tpu.memory_space<vmem>>, vector<16xf32>,
    tpu.vector_store %arg11[%swap3A_873], %gather3A_872 {strides = array<i32>} : memref<1024xf32, #tpu.memory_space<vmem>>, vector<16xf32>,
    %add3A_875 = arith.constant 144 : i32
    %add3A_876 = vector.broadcast %add3A_875 : i32 to vector<16xi32>
    %add3A_877 = arith.addi %add3A_876, %iota3A : vector<16xi32>
    %gather3A_878 = tpu.vector_load_idx %arg9[%add3A_877, %broadcast_in_dim3A_56] : memref<256x128xf32, #tpu.memory_space<vmem>>[vector<16xi32>, vector<16xi32>], vector<16xf32>,
    %swap3A_879 = arith.constant 912 : index
    %swap3A_880 = tpu.vector_load %arg11[%swap3A_879] {strides = array<i32>} : memref<1024xf32, #tpu.memory_space<vmem>>, vector<16xf32>,
    tpu.vector_store %arg11[%swap3A_879], %gather3A_878 {strides = array<i32>} : memref<1024xf32, #tpu.memory_space<vmem>>, vector<16xf32>,
    %add3A_881 = arith.constant 160 : i32
    %add3A_882 = vector.broadcast %add3A_881 : i32 to vector<16xi32>
    %add3A_883 = arith.addi %add3A_882, %iota3A : vector<16xi32>
    %gather3A_884 = tpu.vector_load_idx %arg9[%add3A_883, %broadcast_in_dim3A_56] : memref<256x128xf32, #tpu.memory_space<vmem>>[vector<16xi32>, vector<16xi32>], vector<16xf32>,
    %swap3A_885 = arith.constant 928 : index
    %swap3A_886 = tpu.vector_load %arg11[%swap3A_885] {strides = array<i32>} : memref<1024xf32, #tpu.memory_space<vmem>>, vector<16xf32>,
    tpu.vector_store %arg11[%swap3A_885], %gather3A_884 {strides = array<i32>} : memref<1024xf32, #tpu.memory_space<vmem>>, vector<16xf32>,
    %add3A_887 = arith.constant 176 : i32
    %add3A_888 = vector.broadcast %add3A_887 : i32 to vector<16xi32>
    %add3A_889 = arith.addi %add3A_888, %iota3A : vector<16xi32>
    %gather3A_890 = tpu.vector_load_idx %arg9[%add3A_889, %broadcast_in_dim3A_56] : memref<256x128xf32, #tpu.memory_space<vmem>>[vector<16xi32>, vector<16xi32>], vector<16xf32>,
    %swap3A_891 = arith.constant 944 : index
    %swap3A_892 = tpu.vector_load %arg11[%swap3A_891] {strides = array<i32>} : memref<1024xf32, #tpu.memory_space<vmem>>, vector<16xf32>,
    tpu.vector_store %arg11[%swap3A_891], %gather3A_890 {strides = array<i32>} : memref<1024xf32, #tpu.memory_space<vmem>>, vector<16xf32>,
    %add3A_893 = arith.constant 192 : i32
    %add3A_894 = vector.broadcast %add3A_893 : i32 to vector<16xi32>
    %add3A_895 = arith.addi %add3A_894, %iota3A : vector<16xi32>
    %gather3A_896 = tpu.vector_load_idx %arg9[%add3A_895, %broadcast_in_dim3A_56] : memref<256x128xf32, #tpu.memory_space<vmem>>[vector<16xi32>, vector<16xi32>], vector<16xf32>,
    %swap3A_897 = arith.constant 960 : index
    %swap3A_898 = tpu.vector_load %arg11[%swap3A_897] {strides = array<i32>} : memref<1024xf32, #tpu.memory_space<vmem>>, vector<16xf32>,
    tpu.vector_store %arg11[%swap3A_897], %gather3A_896 {strides = array<i32>} : memref<1024xf32, #tpu.memory_space<vmem>>, vector<16xf32>,
    %add3A_899 = arith.constant 208 : i32
    %add3A_900 = vector.broadcast %add3A_899 : i32 to vector<16xi32>
    %add3A_901 = arith.addi %add3A_900, %iota3A : vector<16xi32>
    %gather3A_902 = tpu.vector_load_idx %arg9[%add3A_901, %broadcast_in_dim3A_56] : memref<256x128xf32, #tpu.memory_space<vmem>>[vector<16xi32>, vector<16xi32>], vector<16xf32>,
    %swap3A_903 = arith.constant 976 : index
    %swap3A_904 = tpu.vector_load %arg11[%swap3A_903] {strides = array<i32>} : memref<1024xf32, #tpu.memory_space<vmem>>, vector<16xf32>,
    tpu.vector_store %arg11[%swap3A_903], %gather3A_902 {strides = array<i32>} : memref<1024xf32, #tpu.memory_space<vmem>>, vector<16xf32>,
    %add3A_905 = arith.constant 224 : i32
    %add3A_906 = vector.broadcast %add3A_905 : i32 to vector<16xi32>
    %add3A_907 = arith.addi %add3A_906, %iota3A : vector<16xi32>
    %gather3A_908 = tpu.vector_load_idx %arg9[%add3A_907, %broadcast_in_dim3A_56] : memref<256x128xf32, #tpu.memory_space<vmem>>[vector<16xi32>, vector<16xi32>], vector<16xf32>,
    %swap3A_909 = arith.constant 992 : index
    %swap3A_910 = tpu.vector_load %arg11[%swap3A_909] {strides = array<i32>} : memref<1024xf32, #tpu.memory_space<vmem>>, vector<16xf32>,
    tpu.vector_store %arg11[%swap3A_909], %gather3A_908 {strides = array<i32>} : memref<1024xf32, #tpu.memory_space<vmem>>, vector<16xf32>,
    %add3A_911 = arith.constant 240 : i32
    %add3A_912 = vector.broadcast %add3A_911 : i32 to vector<16xi32>
    %add3A_913 = arith.addi %add3A_912, %iota3A : vector<16xi32>
    %gather3A_914 = tpu.vector_load_idx %arg9[%add3A_913, %broadcast_in_dim3A_56] : memref<256x128xf32, #tpu.memory_space<vmem>>[vector<16xi32>, vector<16xi32>], vector<16xf32>,
    %swap3A_915 = arith.constant 1008 : index
    %swap3A_916 = tpu.vector_load %arg11[%swap3A_915] {strides = array<i32>} : memref<1024xf32, #tpu.memory_space<vmem>>, vector<16xf32>,
    tpu.vector_store %arg11[%swap3A_915], %gather3A_914 {strides = array<i32>} : memref<1024xf32, #tpu.memory_space<vmem>>, vector<16xf32>,
    "tpu.region"() ({
      %run_scoped3A = tpu.sem_alloc : memref<!tpu.dma_semaphore, #tpu.memory_space<semaphore_mem>>
      %dma_start3A_917 = arith.constant 0 : i32
      %dma_start3A_918 = tpu.memref_slice %arg5[%add3A, %dma_start3A_917] : memref<32x1024xf32, #tpu.memory_space<hbm>> -> memref<1x1024xf32, #tpu.memory_space<hbm>>
      %dma_start3A_919 = tpu.memref_squeeze %dma_start3A_918 : memref<1x1024xf32, #tpu.memory_space<hbm>> -> memref<1024xf32, #tpu.memory_space<hbm>>
      %dma_start3A_920 = arith.constant 0 : i32
      %dma_start3A_921 = tpu.memref_slice %arg5[%add3A, %dma_start3A_920] : memref<32x1024xf32, #tpu.memory_space<hbm>> -> memref<1x1024xf32, #tpu.memory_space<hbm>>
      %dma_start3A_922 = tpu.memref_squeeze %dma_start3A_921 : memref<1x1024xf32, #tpu.memory_space<hbm>> -> memref<1024xf32, #tpu.memory_space<hbm>>
      tpu.enqueue_dma source(%arg10 : memref<1024xf32, #tpu.memory_space<vmem>>) target(%dma_start3A_922 : memref<1024xf32, #tpu.memory_space<hbm>>) target_semaphore(%run_scoped3A : memref<!tpu.dma_semaphore, #tpu.memory_space<semaphore_mem>>)
      %dma_wait3A_923 = arith.constant 0 : i32
      %dma_wait3A_924 = tpu.memref_slice %arg5[%add3A, %dma_wait3A_923] : memref<32x1024xf32, #tpu.memory_space<hbm>> -> memref<1x1024xf32, #tpu.memory_space<hbm>>
      %dma_wait3A_925 = tpu.memref_squeeze %dma_wait3A_924 : memref<1x1024xf32, #tpu.memory_space<hbm>> -> memref<1024xf32, #tpu.memory_space<hbm>>
      %dma_wait3A_926 = arith.constant 0 : i32
      %dma_wait3A_927 = tpu.memref_slice %arg5[%add3A, %dma_wait3A_926] : memref<32x1024xf32, #tpu.memory_space<hbm>> -> memref<1x1024xf32, #tpu.memory_space<hbm>>
      %dma_wait3A_928 = tpu.memref_squeeze %dma_wait3A_927 : memref<1x1024xf32, #tpu.memory_space<hbm>> -> memref<1024xf32, #tpu.memory_space<hbm>>
      tpu.wait_dma2 semaphore(%run_scoped3A : memref<!tpu.dma_semaphore, #tpu.memory_space<semaphore_mem>>) src(%arg10 : memref<1024xf32, #tpu.memory_space<vmem>>) dst(%dma_wait3A_928 : memref<1024xf32, #tpu.memory_space<hbm>>)
      tpu.yield
    }) : () -> ()
    "tpu.region"() ({
      %run_scoped3A = tpu.sem_alloc : memref<!tpu.dma_semaphore, #tpu.memory_space<semaphore_mem>>
      %dma_start3A_917 = arith.constant 0 : i32
      %dma_start3A_918 = tpu.memref_slice %arg6[%add3A, %dma_start3A_917] : memref<32x1024xf32, #tpu.memory_space<hbm>> -> memref<1x1024xf32, #tpu.memory_space<hbm>>
      %dma_start3A_919 = tpu.memref_squeeze %dma_start3A_918 : memref<1x1024xf32, #tpu.memory_space<hbm>> -> memref<1024xf32, #tpu.memory_space<hbm>>
      %dma_start3A_920 = arith.constant 0 : i32
      %dma_start3A_921 = tpu.memref_slice %arg6[%add3A, %dma_start3A_920] : memref<32x1024xf32, #tpu.memory_space<hbm>> -> memref<1x1024xf32, #tpu.memory_space<hbm>>
      %dma_start3A_922 = tpu.memref_squeeze %dma_start3A_921 : memref<1x1024xf32, #tpu.memory_space<hbm>> -> memref<1024xf32, #tpu.memory_space<hbm>>
      tpu.enqueue_dma source(%arg11 : memref<1024xf32, #tpu.memory_space<vmem>>) target(%dma_start3A_922 : memref<1024xf32, #tpu.memory_space<hbm>>) target_semaphore(%run_scoped3A : memref<!tpu.dma_semaphore, #tpu.memory_space<semaphore_mem>>)
      %dma_wait3A_923 = arith.constant 0 : i32
      %dma_wait3A_924 = tpu.memref_slice %arg6[%add3A, %dma_wait3A_923] : memref<32x1024xf32, #tpu.memory_space<hbm>> -> memref<1x1024xf32, #tpu.memory_space<hbm>>
      %dma_wait3A_925 = tpu.memref_squeeze %dma_wait3A_924 : memref<1x1024xf32, #tpu.memory_space<hbm>> -> memref<1024xf32, #tpu.memory_space<hbm>>
      %dma_wait3A_926 = arith.constant 0 : i32
      %dma_wait3A_927 = tpu.memref_slice %arg6[%add3A, %dma_wait3A_926] : memref<32x1024xf32, #tpu.memory_space<hbm>> -> memref<1x1024xf32, #tpu.memory_space<hbm>>
      %dma_wait3A_928 = tpu.memref_squeeze %dma_wait3A_927 : memref<1x1024xf32, #tpu.memory_space<hbm>> -> memref<1024xf32, #tpu.memory_space<hbm>>
      tpu.wait_dma2 semaphore(%run_scoped3A : memref<!tpu.dma_semaphore, #tpu.memory_space<semaphore_mem>>) src(%arg11 : memref<1024xf32, #tpu.memory_space<vmem>>) dst(%dma_wait3A_928 : memref<1024xf32, #tpu.memory_space<hbm>>)
      tpu.yield
    }) : () -> ()
    return
  }
}

</mosaic_0001>

<sc_bundles>
// kernel: kernel.3.cloned.1.call-start
scs
__scs_entry_jumppad:
0x0: {  	(pc) =	sbr.rel $0x88, $3  }
0x1: {  	(tag) =	ssettag $0x0;
	lr =	simm.s32 $0x1  }
0x2: {  	[smem:$0x3F9F] =	sst lr;
	_ =	strace $0xD0000000  }
0x3: {  	_ = 	snop  }
0x4: {  	_ = 	snop  }
0x5: {  	_ = 	snop  }
0x6: {  	_ = 	snop  }
0x7: {  	_ = 	snop  }
__scs_overlays_trampoline_lowered:
0x8: {  	[smem:$0x3FAE] =	sst s0  }
0x9: {  	[smem:$0x3FAF] =	sst s1  }
0xa: {  	[smem:$0x3FB0] =	sst s2  }
0xb: {  	[smem:$0x3FB1] =	sst s3  }
0xc: {  	[smem:$0x3FB2] =	sst s4  }
0xd: {  	[smem:$0x3FB3] =	sst s5  }
0xe: {  	[smem:$0x3FB4] =	sst s6  }
0xf: {  	[smem:$0x3FB5] =	sst s7  }
0x10: {  	[smem:$0x3FB6] =	sst s8  }
0x11: {  	[smem:$0x3FB7] =	sst s9;
	s0 =	simm.s32 @!p0 $0x0  }
0x12: {  	s1 =	sld [smem:$0x3F9D];
	s0 =	simm.s32 @p0 $0x1  }
0x13: {  	[smem:$0x3FB8] =	sst s0;
	s0 =	simm.s32 @!p1 $0x0  }
0x14: {  	s2 =	sld [smem:$0x3F9C];
	s0 =	simm.s32 @p1 $0x1  }
0x15: {  	[smem:$0x3FB9] =	sst s0;
	s0 =	simm.s32 @!p2 $0x0  }
0x16: {  	s3 =	sld [smem:$0x3FDB];
	s0 =	simm.s32 @p2 $0x1  }
0x17: {  	s4 =	simm.s32 $0x1BF5;
	[smem:$0x3FBB] =	sst s0  }
0x18: {  	s0 =	sld [smem:$0x3F9E];
	_ =	swait.ge [sflag:s4], $0x0  }
0x19: {  	s7 =	sld [smem:$0x3F9F]  }
0x1a: {  	s8 =	sadd.s32 $0xFFFFE003, lr  }
0x1b: {  	s9 =	sadd.s32 $0xFFFFFEF7, lr;
	s5 =	simm.s32 $0xFFFFFFFF;
	p2 =	slt.u32 s8, $0xFFFFF086  }
0x1c: {  	p1 =	slt.u32 s9, $0xF7A;
	s5 =	simm.s32 @!p2 $0x0  }
0x1d: {  	s5 =	simm.s32 @p1 $0x1;
	p0 =	seq.s32 s7, s2  }
0x1e: {  	s7 =	smul.u32 @!p0 $0xF7A, s2;
	p2 =	seq.s32 @!p0 s5, $0x0  }
0x1f: {  	s9 =	smul.u32 $0xF7A, s1;
	s8 =	simm.s32 @!p0 $0x1BF5;
	p2 =	por !p2, p0  }
0x20: {  	[sflag:s8] =	ssyncset.s32 @!p0 $0xFFFFF086;
	s6 =	sadd.s32 @!p0 s3, s7;
	s7 =	simm.s32 @!p0 $0x108  }
0x21: {  	s3 =	sadd.s32 s3, s9;
	s6 =	sadd.s32 @!p0 $0x88, s6;
	s7 =	simm.s32 @p2 $0x1082  }
0x22: {  	[simem:s7], [sflag:s8] =	dma.local @!p0 [hbm:s6], $0xF7A  }
0x23: {  	s9 =	sor.u32 $0xD0000000, s2;
	s6 =	simm.s32 $0x108;
	_ =	swait.ge @!p0 [sflag:s8], $0x0  }
0x24: {  	s3 =	sadd.s32 $0x88, s3;
	s6 =	simm.s32 @!p1 $0x1082;
	[sflag:s4] =	ssyncset.s32 $0xFFFFF086  }
0x25: {  	[simem:s6], [sflag:s4] =	dma.local [hbm:s3], $0xF7A  }
0x26: {  	[smem:$0x3F9F] =	sst s1;
	(tag) =	ssettag s2;
	_ =	strace s9  }
0x27: {  	s1 =	sld [smem:$0x3FAF]  }
0x28: {  	s2 =	sld [smem:$0x3FB0]  }
0x29: {  	s4 =	sld [smem:$0x3FB2]  }
0x2a: {  	p0 =	seq.s32 s5, $0x0;
	s5 =	sld [smem:$0x3FB3]  }
0x2b: {  	s6 =	sld [smem:$0x3FB4]  }
0x2c: {  	s7 =	sld [smem:$0x3FB5]  }
0x2d: {  	s3 =	simm.s32 $0x108;
	s8 =	sld [smem:$0x3FB6]  }
0x2e: {  	s3 =	simm.s32 @!p0 $0x1082;
	s9 =	sld [smem:$0x3FB7]  }
0x2f: {  	lr =	sadd.s32 s0, s3;
	s0 =	sld [smem:$0x3FAE]  }
0x30: {  	s3 =	sld [smem:$0x3FB1]  }
0x31: {  	[smem:$0x3FBA] =	sst s10  }
0x32: {  	s10 =	sld [smem:$0x3FB8];
	_ =	sdelay $0x3  }
0x33: {  	p0 =	seq.s32 s10, $0x1;
	s10 =	sld [smem:$0x3FBA];
	_ =	sdelay $0x3  }
0x34: {  	[smem:$0x3FBA] =	sst s10  }
0x35: {  	s10 =	sld [smem:$0x3FB9];
	_ =	sdelay $0x3  }
0x36: {  	p1 =	seq.s32 s10, $0x1;
	s10 =	sld [smem:$0x3FBA];
	_ =	sdelay $0x3  }
0x37: {  	[smem:$0x3FBA] =	sst s10  }
0x38: {  	s10 =	sld [smem:$0x3FBB]  }
0x39: {  	_ = 	snop;
	(pc) =	sbr.ind lr, $3  }
0x3a: {  	_ = 	snop  }
0x3b: {  	_ = 	snop  }
0x3c: {  	p2 =	seq.s32 s10, $0x1;
	s10 =	sld [smem:$0x3FBA]  }
0x3d: {  	_ =	shalt  }
0x3e: {  	_ =	shalt  }
0x3f: {  	_ =	shalt  }
0x40: {  	_ =	shalt  }
0x41: {  	_ =	shalt  }
0x42: {  	_ =	shalt  }
0x43: {  	_ =	shalt  }
0x44: {  	_ =	shalt  }
0x45: {  	_ =	shalt  }
0x46: {  	_ =	shalt  }
0x47: {  	_ =	shalt  }
0x48: {  	_ =	shalt  }
0x49: {  	_ =	shalt  }
0x4a: {  	_ =	shalt  }
0x4b: {  	_ =	shalt  }
0x4c: {  	_ =	shalt  }
0x4d: {  	_ =	shalt  }
0x4e: {  	_ =	shalt  }
0x4f: {  	_ =	shalt  }
0x50: {  	_ =	shalt  }
0x51: {  	_ =	shalt  }
0x52: {  	_ =	shalt  }
0x53: {  	_ =	shalt  }
0x54: {  	_ =	shalt  }
0x55: {  	_ =	shalt  }
0x56: {  	_ =	shalt  }
0x57: {  	_ =	shalt  }
0x58: {  	_ =	shalt  }
0x59: {  	_ =	shalt  }
0x5a: {  	_ =	shalt  }
0x5b: {  	_ =	shalt  }
0x5c: {  	_ =	shalt  }
0x5d: {  	_ =	shalt  }
0x5e: {  	_ =	shalt  }
0x5f: {  	_ =	shalt  }
0x60: {  	_ =	shalt  }
0x61: {  	_ =	shalt  }
0x62: {  	_ =	shalt  }
0x63: {  	_ =	shalt  }
0x64: {  	_ =	shalt  }
0x65: {  	_ =	shalt  }
0x66: {  	_ =	shalt  }
0x67: {  	_ =	shalt  }
0x68: {  	_ =	shalt  }
0x69: {  	_ =	shalt  }
0x6a: {  	_ =	shalt  }
0x6b: {  	_ =	shalt  }
0x6c: {  	_ =	shalt  }
0x6d: {  	_ =	shalt  }
0x6e: {  	_ =	shalt  }
0x6f: {  	_ =	shalt  }
0x70: {  	_ =	shalt  }
0x71: {  	_ =	shalt  }
0x72: {  	_ =	shalt  }
0x73: {  	_ =	shalt  }
0x74: {  	_ =	shalt  }
0x75: {  	_ =	shalt  }
0x76: {  	_ =	shalt  }
0x77: {  	_ =	shalt  }
0x78: {  	_ =	shalt  }
0x79: {  	_ =	shalt  }
0x7a: {  	_ =	shalt  }
0x7b: {  	_ =	shalt  }
0x7c: {  	_ =	shalt  }
0x7d: {  	_ =	shalt  }
0x7e: {  	_ =	shalt  }
0x7f: {  	_ =	shalt  }
0x80: {  	_ =	shalt  }
0x81: {  	_ =	shalt  }
0x82: {  	_ =	shalt  }
0x83: {  	_ =	shalt  }
0x84: {  	_ =	shalt  }
0x85: {  	_ =	shalt  }
0x86: {  	_ =	shalt  }
0x87: {  	_ =	shalt  }
.Lfunc_end0:
.L_simem_size_0:
called_computation_lowered:
.L_overlay_start_0:
0x88: {  	s2 =	sld [smem:$0x3FD9]  }
0x89: {  	s3 =	sld [smem:$0x3FFE];
	_ =	sdelay $0x1  }
0x8a: {  	s1 =	srdreg.scid  }
0x8b: {  	s0 =	sand.u32 $0x1, s1  }
0x8c: {  	s14 =	sshll.u32 s0, $0xA;
	s2 =	sadd.s32 s3, s2  }
0x8d: {  	s2 =	sadd.s32 s2, s14  }
0x8e: {  	[smem:$0x3FC6] =	sst s2  }
0x8f: {  	_ = 	snop  }
0x90: {  	s2 =	sld [smem:$0x3FD0];
	_ =	sdelay $0x1  }
0x91: {  	s15 =	sld [smem:$0x3FC9]  }
0x92: {  	s5 =	simm.s32 $0xA;
	s6 =	simm.s32 $0x10;
	s4 =	sld [smem:$0x3FC8]  }
0x93: {  	[smem:s6], [sflag:s5] =	dma.local [hbm:s2], $0x1  }
0x94: {  	_ =	swait.eq [sflag:s5], $0x1  }
0x95: {  	[sflag:s5] =	ssyncset.done $0x0  }
0x96: {  	s16 =	sld [smem:$0x10];
	[sflag:s5] =	ssyncadd.s32 $0xFFFFFFFF  }
0x97: {  	s17 =	sld [smem:$0x11];
	(tm) =	ssettm $0x1  }
0x98: {  	s18 =	sld [smem:$0x3FFB];
	_ =	sdelay $0x3  }
0x99: {  	_ =	strace s18  }
0x9a: {  	s6 =	sld [smem:$0x3FFC];
	_ =	sdelay $0x3  }
0x9b: {  	_ =	strace s6  }
0x9c: {  	s6 =	sld [smem:$0x3FFD];
	_ =	sdelay $0x3  }
0x9d: {  	_ =	strace s6  }
0x9e: {  	_ =	strace $0x8FFFFFFF  }
0x9f: {  	s19 =	sld [smem:$0x3FDB];
	_ =	sdelay $0x1  }
0xa0: {  	s7 =	simm.s32 $_scs_section_size  }
0xa1: {  	s8 =	simm.s32 $_size__tile_overlayer_lowered;
	s9 =	simm.s32 $_tile_overlayer_lowered  }
0xa2: {  	s22 =	simm.s32 $0x1BFF;
	s21 =	sshll.u32 s9, $0x1;
	s6 =	sadd.s32 s7, s19  }
0xa3: {  	s10 =	simm.s32 $0x0;
	s20 =	sshll.u32 s8, $0x1;
	s8 =	sadd.s32 s21, s6  }
0xa4: {  	[timem:s10], [sflag:s22] =	dma.local [hbm:s8], s20  }
0xa5: {  	_ =	swait.ge [sflag:s22], s20  }
0xa6: {  	s7 =	ssub.s32 $0x0, s20;
	[sflag:s22] =	ssyncset.done $0x0  }
0xa7: {  	[sflag:s22] =	ssyncadd.s32 s7;
	_ =	sdelay $0x1  }
0xa8: {  	s23 =	simm.s32 $0x1B8B  }
0xa9: {  	_ =	swait.ge [sflag:s23], $0x1  }
0xaa: {  	[sflag:s23] =	ssyncset.done $0x0  }
0xab: {  	s25 =	simm.s32 $0x1B8E;
	s24 =	sld [smem:$0x3FFE];
	[sflag:s23] =	ssyncadd.s32 $0xFFFFFFFF  }
0xac: {  	s26 =	simm.s32 $execute0_lowered;
	[smem:$0x3FD2] =	sst s25  }
0xad: {  	s8 =	sshll.u32 s26, $0x1;
	_ =	strace $0x80000046;
	[dreg:$0x1] =	wrdreg $0xFFFFFFFF  }
0xae: {  	s28 =	simm.s32 $_size_execute0_lowered;
	s6 =	sadd.s32 s6, s8;
	[dreg:$0x0] =	wrdreg $0x0  }
0xaf: {  	s8 =	sshll.u32 s28, $0x1;
	[dreg:$0x2] =	wrdreg s6  }
0xb0: {  	[dreg:$0x3] =	wrdreg s8  }
0xb1: {  	[dreg:$0x4] =	wrdreg $0xC0  }
0xb2: {  	_ =	task [dreg:s10], $0x5FFFF  }
0xb3: {  	[dreg:$0x1] =	wrdreg $0xFFFFFFFF  }
0xb4: {  	[dreg:$0x0] =	wrdreg $0x60  }
0xb5: {  	[dreg:$0x2] =	wrdreg s15  }
0xb6: {  	[dreg:$0x3] =	wrdreg s4  }
0xb7: {  	[dreg:$0x4] =	wrdreg s24  }
0xb8: {  	[dreg:$0x5] =	wrdreg s16  }
0xb9: {  	[dreg:$0x6] =	wrdreg s17  }
0xba: {  	[dreg:$0x7] =	wrdreg $0x9  }
0xbb: {  	_ =	task.clear_ibuf [dreg:s10], $0x8FFFF;
	_ =	strace $0x90000046  }
0xbc: {  	s29 =	simm.s32 $0x9;
	_ =	strace $0x80000048  }
0xbd: {  	_ =	swait.ge [sflag:s29], $0x1  }
0xbe: {  	[sflag:s29] =	ssyncadd.s32 $0xFFFFFFFF  }
0xbf: {  	_ =	strace $0x90000048  }
0xc0: {  	_ =	sfence  }
0xc1: {  	s30 =	sld [smem:$0x0];
	_ =	sdelay $0x2  }
0xc2: {  	s31 =	sshll.u32 s1, $0xD;
	s1 =	sshrl.u32 s1, $0x2  }
0xc3: {  	s3 =	sand.u32 $0x4000, s31;
	s1 =	sadd.s32 s1, s30  }
0xc4: {  	s0 =	sor.u32 s3, s0;
	s1 =	sshll.u32 s1, $0x11  }
0xc5: {  	s0 =	sor.u32 s1, s0  }
0xc6: {  	s0 =	sadd.s32 $0x8F2B, s0  }
0xc7: {  	[sflag:s0] =	ssyncadd.remote.s32 $0x1  }
0xc8: {  	_ =	sfence.sel $0xFFFF  }
0xc9: {  	[dreg:$0x0] =	wrdreg $0xFFFFFFFF;
	(pc) =	sbr.abs _section_cstart, $3  }
0xca: {  	[dreg:$0x1] =	wrdreg $0xFFFFFFFF  }
0xcb: {  	_ =	task.clear_ibuf [dreg:s10], $0x2FFFF;
	_ =	strace $0x9FFFFFFF  }
0xcc: {  	(tm) =	ssettm $0x7FFFFFFF  }
0xcd: {  	_ =	shalt  }
tec
execute0_lowered:
.L_overlay_start_1:
0x0: {  	(tag) =	ssettag $0x1  }
0x1: {  	s0 =	rddreg [dreg:$0x0]  }
0x2: {  	s2 =	rddreg [dreg:$0x1]  }
0x3: {  	s6 =	rddreg [dreg:$0x2]  }
0x4: {  	s7 =	rddreg [dreg:$0x3]  }
0x5: {  	s3 =	srdreg.scid;
	s1 =	stileid.u32  }
0x6: {  	s8 =	rddreg [dreg:$0x4];
	s4 =	simm.s32 $0x0;
	s12 =	simm.s32 $0x10080  }
0x7: {  	s14 =	simm.s32 $0x10480;
	s9 =	sand.u32 $0x1, s3;
	s3 =	rddreg [dreg:$0x5]  }
0x8: {  	s13 =	simm.s32 $0x8080;
	s5 =	sshll.u32 s1, $0x1;
	[smem:$0x7FF] =	sst s4  }
0x9: {  	v0 =	vlaneseq.u32;
	s10 =	sshll.u32 s1, $0x8;
	s6 =	sadd.s32 $0x600, s6;
	s5 =	sor.u32 s9, s5  }
0xa: {  	v0 =	vmul.u32 $0x80, v0;
	_ =	strace $0x80000047;
	s9 =	ssub.s32 $0x2, s9;
	[dreg:$0x6] =	wrdreg s6  }
0xb: {  	[dreg:$0x8] =	wrdreg s12;
	s12 =	simm.s32 $0x80;
	s11 =	sshll.u32 s5, $0x4  }
0xc: {  	[dreg:$0xa] =	wrdreg s14;
	s30 =	sshrl.u32 s9, $0x1;
	v1 =	vor.u32 $0x800, v0;
	v2 =	vor.u32 $0x1000, v0;
	v3 =	vor.u32 $0x1800, v0;
	s10 =	sor.u32 s10, s11  }
0xd: {  	s6 =	sshll.u32 s5, $0x15;
	v4 =	vor.u32 $0x2000, v0;
	v5 =	vor.u32 $0x2800, v0;
	v6 =	vor.u32 $0x3000, v0;
	s9 =	ssub.s32 s9, s30;
	s10 =	sand.u32 $0xC70, s10  }
0xe: {  	v7 =	vor.u32 $0x3800, v0;
	v8 =	vor.u32 $0x4000, v0;
	v9 =	vor.u32 $0x4800, v0;
	s11 =	simm.s32 $0x4000;
	s7 =	sadd.s32 s7, s10;
	s31 =	sadd.s32 s8, s10  }
0xf: {  	v10 =	vor.u32 $0x5000, v0;
	v11 =	vor.u32 $0x5800, v0;
	v12 =	vor.u32 $0x6000, v0;
	s8 =	simm.s32 $0x2;
	s10 =	simm.s32 $0x400;
	[dreg:$0x7] =	wrdreg s7  }
0x10: {  	v13 =	vor.u32 $0x6800, v0;
	v14 =	vor.u32 $0x7000, v0;
	v15 =	vor.u32 $0x7800, v0;
	[dreg:$0x9] =	wrdreg s31;
	s7 =	smax.u32 s9, $0x1;
	s9 =	simm.s32 $0x1  }
.LBB2_1:
0x11: {  	s14 =	rddreg [dreg:$0x6]  }
0x12: {  	[tilespmem:s4], [sflag:$0x2] =	stream.linear.gather [hbm4b:s14+s4], $0x80, $0x38;
	[tilespmem:$0x10880] =	vst v63  }
0x13: {  	_ =	swait.ge [sflag:s8], $0x80  }
0x14: {  	[sflag:s8] =	ssyncset.done $0x0  }
0x15: {  	[sflag:s8] =	ssyncadd.s32 $0xFFFFFF80  }
0x16: {  	v16 =	vld [tilespmem:s5+$0x0];
	_ =	sdelay $0x4  }
0x17: {  	(v2sf) =	vpush v16, $0x0;
	_ =	sdelay $0x7  }
0x18: {  	v16 =	vld [tilespmem:s5+$0x20];
	_ =	sdelay $0x4  }
0x19: {  	(v2sf) =	vpush v16, $0x0;
	_ =	sdelay $0x1  }
0x1a: {  	s28 =	spop (v2sf)  }
0x1b: {  	s15 =	sand.u32 $0x7F, s28  }
0x1c: {  	s16 =	sshra.s32 s28, $0x1F;
	p0 =	slt.s32 s28, $0x1;
	p1 =	sne.s32 s15, $0x0  }
0x1d: {  	s29 =	sshrl.u32 s16, $0x19;
	p0 =	por !p0, !p1  }
0x1e: {  	s16 =	simm.s32 $0x1;
	s15 =	sadd.s32 s29, s28;
	p0 =	por !p0, !p0  }
0x1f: {  	s15 =	sshra.s32 s15, $0x7;
	s16 =	simm.s32 @!p0 $0x0  }
0x20: {  	s16 =	ssub.s32 s15, s16  }
0x21: {  	s15 =	sshll.u32 s16, $0xA  }
0x22: {  	s15 =	sadd.s32 s6, s15  }
0x23: {  	s17 =	sshrl.u32 s15, $0x3  }
0x24: {  	s16 =	sshll.u32 s16, $0x7;
	s30 =	sadd.s32 $0x80000, s15;
	s17 =	sadd.s32 s0, s17  }
0x25: {  	[tilespmem:s12], [sflag:$0x1] =	stream.strided.gather [hbm4b:s17+s10], $0x8000, s11, s10, $0x38;
	[tilespmem:$0x10880] =	vst v63  }
0x26: {  	s16 =	ssub.s32 s28, s16;
	s17 =	sshrl.u32 s30, $0x3  }
0x27: {  	s31 =	spop (v2sf);
	v16 =	vadd.s32 s16, v0;
	s17 =	sadd.s32 s0, s17  }
0x28: {  	[tilespmem:s13], [sflag:$0x1] =	stream.strided.gather [hbm4b:s17+s10], $0x8000, s11, s10, $0x38;
	[tilespmem:$0x10880] =	vst v63  }
0x29: {  	_ =	swait.ge [sflag:s9], $0x8000  }
0x2a: {  	[sflag:s9] =	ssyncset.done $0x0  }
0x2b: {  	[sflag:s9] =	ssyncadd.s32 $0xFFFF8000  }
0x2c: {  	v18 =	vld.idx.msk [tilespmem:v16+s12+$0x0], $0xffff  }
0x2d: {  	v17 =	vadd.s32 s16, v1;
	_ =	sdelay $0x3  }
0x2e: {  	[tilespmem:$0x10080] =	vst v18  }
0x2f: {  	v19 =	vld.idx.msk [tilespmem:v17+s12+$0x0], $0xffff  }
0x30: {  	v59 =	vadd.s32 s16, v2;
	_ =	sdelay $0x3  }
0x31: {  	[tilespmem:$0x10090] =	vst v19  }
0x32: {  	v20 =	vld.idx.msk [tilespmem:v59+s12+$0x0], $0xffff  }
0x33: {  	v60 =	vadd.s32 s16, v3;
	_ =	sdelay $0x3  }
0x34: {  	[tilespmem:$0x100A0] =	vst v20  }
0x35: {  	v21 =	vld.idx.msk [tilespmem:v60+s12+$0x0], $0xffff  }
0x36: {  	v61 =	vadd.s32 s16, v4;
	_ =	sdelay $0x3  }
0x37: {  	[tilespmem:$0x100B0] =	vst v21  }
0x38: {  	v22 =	vld.idx.msk [tilespmem:v61+s12+$0x0], $0xffff  }
0x39: {  	v62 =	vadd.s32 s16, v5;
	_ =	sdelay $0x3  }
0x3a: {  	[tilespmem:$0x100C0] =	vst v22  }
0x3b: {  	v23 =	vld.idx.msk [tilespmem:v62+s12+$0x0], $0xffff  }
0x3c: {  	v63 =	vadd.s32 s16, v6;
	_ =	sdelay $0x3  }
0x3d: {  	[tilespmem:$0x100D0] =	vst v23  }
0x3e: {  	v24 =	vld.idx.msk [tilespmem:v63+s12+$0x0], $0xffff  }
0x3f: {  	v36 =	vadd.s32 s16, v7;
	_ =	sdelay $0x3  }
0x40: {  	[tilespmem:$0x100E0] =	vst v24  }
0x41: {  	v25 =	vld.idx.msk [tilespmem:v36+s12+$0x0], $0xffff  }
0x42: {  	v37 =	vadd.s32 s16, v8;
	_ =	sdelay $0x3  }
0x43: {  	[tilespmem:$0x100F0] =	vst v25  }
0x44: {  	v26 =	vld.idx.msk [tilespmem:v37+s12+$0x0], $0xffff  }
0x45: {  	v38 =	vadd.s32 s16, v9;
	_ =	sdelay $0x3  }
0x46: {  	[tilespmem:$0x10100] =	vst v26  }
0x47: {  	v27 =	vld.idx.msk [tilespmem:v38+s12+$0x0], $0xffff  }
0x48: {  	v39 =	vadd.s32 s16, v10;
	_ =	sdelay $0x3  }
0x49: {  	[tilespmem:$0x10110] =	vst v27  }
0x4a: {  	v28 =	vld.idx.msk [tilespmem:v39+s12+$0x0], $0xffff  }
0x4b: {  	v40 =	vadd.s32 s16, v11;
	_ =	sdelay $0x3  }
0x4c: {  	[tilespmem:$0x10120] =	vst v28  }
0x4d: {  	v29 =	vld.idx.msk [tilespmem:v40+s12+$0x0], $0xffff  }
0x4e: {  	v41 =	vadd.s32 s16, v12;
	_ =	sdelay $0x3  }
0x4f: {  	[tilespmem:$0x10130] =	vst v29  }
0x50: {  	v30 =	vld.idx.msk [tilespmem:v41+s12+$0x0], $0xffff  }
0x51: {  	v42 =	vadd.s32 s16, v13;
	_ =	sdelay $0x3  }
0x52: {  	[tilespmem:$0x10140] =	vst v30  }
0x53: {  	v31 =	vld.idx.msk [tilespmem:v42+s12+$0x0], $0xffff  }
0x54: {  	v43 =	vadd.s32 s16, v14;
	_ =	sdelay $0x3  }
0x55: {  	[tilespmem:$0x10150] =	vst v31  }
0x56: {  	v32 =	vld.idx.msk [tilespmem:v43+s12+$0x0], $0xffff  }
0x57: {  	v44 =	vadd.s32 s16, v15;
	_ =	sdelay $0x3  }
0x58: {  	[tilespmem:$0x10160] =	vst v32  }
0x59: {  	v32 =	vld.idx.msk [tilespmem:v44+s12+$0x0], $0xffff;
	_ =	sdelay $0x2  }
0x5a: {  	s18 =	sadd.s32 $0x100000, s15  }
0x5b: {  	s16 =	sshrl.u32 s18, $0x3  }
0x5c: {  	s16 =	sadd.s32 s0, s16;
	[tilespmem:$0x10170] =	vst v32  }
0x5d: {  	[tilespmem:s12], [sflag:$0x1] =	stream.strided.gather [hbm4b:s16+s10], $0x8000, s11, s10, $0x38;
	[tilespmem:$0x10880] =	vst v63  }
0x5e: {  	_ =	swait.ge [sflag:s9], $0x8000  }
0x5f: {  	[sflag:s9] =	ssyncset.done $0x0  }
0x60: {  	[sflag:s9] =	ssyncadd.s32 $0xFFFF8000  }
0x61: {  	v45 =	vld.idx.msk [tilespmem:v16+s13+$0x0], $0xffff;
	_ =	sdelay $0x4  }
0x62: {  	[tilespmem:$0x10180] =	vst v45  }
0x63: {  	v32 =	vld.idx.msk [tilespmem:v17+s13+$0x0], $0xffff;
	_ =	sdelay $0x4  }
0x64: {  	[tilespmem:$0x10190] =	vst v32  }
0x65: {  	v32 =	vld.idx.msk [tilespmem:v59+s13+$0x0], $0xffff;
	_ =	sdelay $0x4  }
0x66: {  	[tilespmem:$0x101A0] =	vst v32  }
0x67: {  	v32 =	vld.idx.msk [tilespmem:v60+s13+$0x0], $0xffff;
	_ =	sdelay $0x4  }
0x68: {  	[tilespmem:$0x101B0] =	vst v32  }
0x69: {  	v32 =	vld.idx.msk [tilespmem:v61+s13+$0x0], $0xffff;
	_ =	sdelay $0x4  }
0x6a: {  	[tilespmem:$0x101C0] =	vst v32  }
0x6b: {  	v32 =	vld.idx.msk [tilespmem:v62+s13+$0x0], $0xffff;
	_ =	sdelay $0x4  }
0x6c: {  	[tilespmem:$0x101D0] =	vst v32  }
0x6d: {  	v32 =	vld.idx.msk [tilespmem:v63+s13+$0x0], $0xffff;
	_ =	sdelay $0x4  }
0x6e: {  	[tilespmem:$0x101E0] =	vst v32  }
0x6f: {  	v32 =	vld.idx.msk [tilespmem:v36+s13+$0x0], $0xffff;
	_ =	sdelay $0x4  }
0x70: {  	[tilespmem:$0x101F0] =	vst v32  }
0x71: {  	v32 =	vld.idx.msk [tilespmem:v37+s13+$0x0], $0xffff;
	_ =	sdelay $0x4  }
0x72: {  	[tilespmem:$0x10200] =	vst v32  }
0x73: {  	v32 =	vld.idx.msk [tilespmem:v38+s13+$0x0], $0xffff;
	_ =	sdelay $0x4  }
0x74: {  	[tilespmem:$0x10210] =	vst v32  }
0x75: {  	v32 =	vld.idx.msk [tilespmem:v39+s13+$0x0], $0xffff;
	_ =	sdelay $0x4  }
0x76: {  	[tilespmem:$0x10220] =	vst v32  }
0x77: {  	v32 =	vld.idx.msk [tilespmem:v40+s13+$0x0], $0xffff;
	_ =	sdelay $0x4  }
0x78: {  	[tilespmem:$0x10230] =	vst v32  }
0x79: {  	v32 =	vld.idx.msk [tilespmem:v41+s13+$0x0], $0xffff;
	_ =	sdelay $0x4  }
0x7a: {  	[tilespmem:$0x10240] =	vst v32  }
0x7b: {  	v32 =	vld.idx.msk [tilespmem:v42+s13+$0x0], $0xffff;
	_ =	sdelay $0x4  }
0x7c: {  	[tilespmem:$0x10250] =	vst v32  }
0x7d: {  	v32 =	vld.idx.msk [tilespmem:v43+s13+$0x0], $0xffff;
	_ =	sdelay $0x4  }
0x7e: {  	[tilespmem:$0x10260] =	vst v32  }
0x7f: {  	v32 =	vld.idx.msk [tilespmem:v44+s13+$0x0], $0xffff;
	_ =	sdelay $0x2  }
0x80: {  	s15 =	sadd.s32 $0x180000, s15  }
0x81: {  	s15 =	sshrl.u32 s15, $0x3  }
0x82: {  	s15 =	sadd.s32 s0, s15;
	[tilespmem:$0x10270] =	vst v32  }
0x83: {  	[tilespmem:s13], [sflag:$0x1] =	stream.strided.gather [hbm4b:s15+s10], $0x8000, s11, s10, $0x38;
	[tilespmem:$0x10880] =	vst v63  }
0x84: {  	_ =	swait.ge [sflag:s9], $0x8000  }
0x85: {  	[sflag:s9] =	ssyncset.done $0x0  }
0x86: {  	[sflag:s9] =	ssyncadd.s32 $0xFFFF8000  }
0x87: {  	v46 =	vld.idx.msk [tilespmem:v16+s12+$0x0], $0xffff;
	_ =	sdelay $0x4  }
0x88: {  	[tilespmem:$0x10280] =	vst v46  }
0x89: {  	v32 =	vld.idx.msk [tilespmem:v17+s12+$0x0], $0xffff;
	_ =	sdelay $0x4  }
0x8a: {  	[tilespmem:$0x10290] =	vst v32  }
0x8b: {  	v32 =	vld.idx.msk [tilespmem:v59+s12+$0x0], $0xffff;
	_ =	sdelay $0x4  }
0x8c: {  	[tilespmem:$0x102A0] =	vst v32  }
0x8d: {  	v32 =	vld.idx.msk [tilespmem:v60+s12+$0x0], $0xffff;
	_ =	sdelay $0x4  }
0x8e: {  	[tilespmem:$0x102B0] =	vst v32  }
0x8f: {  	v32 =	vld.idx.msk [tilespmem:v61+s12+$0x0], $0xffff;
	_ =	sdelay $0x4  }
0x90: {  	[tilespmem:$0x102C0] =	vst v32  }
0x91: {  	v32 =	vld.idx.msk [tilespmem:v62+s12+$0x0], $0xffff;
	_ =	sdelay $0x4  }
0x92: {  	[tilespmem:$0x102D0] =	vst v32  }
0x93: {  	v32 =	vld.idx.msk [tilespmem:v63+s12+$0x0], $0xffff;
	_ =	sdelay $0x4  }
0x94: {  	[tilespmem:$0x102E0] =	vst v32  }
0x95: {  	v32 =	vld.idx.msk [tilespmem:v36+s12+$0x0], $0xffff;
	_ =	sdelay $0x4  }
0x96: {  	[tilespmem:$0x102F0] =	vst v32  }
0x97: {  	v32 =	vld.idx.msk [tilespmem:v37+s12+$0x0], $0xffff;
	_ =	sdelay $0x4  }
0x98: {  	[tilespmem:$0x10300] =	vst v32  }
0x99: {  	v32 =	vld.idx.msk [tilespmem:v38+s12+$0x0], $0xffff;
	_ =	sdelay $0x4  }
0x9a: {  	[tilespmem:$0x10310] =	vst v32  }
0x9b: {  	v32 =	vld.idx.msk [tilespmem:v39+s12+$0x0], $0xffff;
	_ =	sdelay $0x4  }
0x9c: {  	[tilespmem:$0x10320] =	vst v32  }
0x9d: {  	v32 =	vld.idx.msk [tilespmem:v40+s12+$0x0], $0xffff;
	_ =	sdelay $0x4  }
0x9e: {  	[tilespmem:$0x10330] =	vst v32  }
0x9f: {  	v32 =	vld.idx.msk [tilespmem:v41+s12+$0x0], $0xffff;
	_ =	sdelay $0x4  }
0xa0: {  	[tilespmem:$0x10340] =	vst v32  }
0xa1: {  	v32 =	vld.idx.msk [tilespmem:v42+s12+$0x0], $0xffff;
	_ =	sdelay $0x4  }
0xa2: {  	[tilespmem:$0x10350] =	vst v32  }
0xa3: {  	v32 =	vld.idx.msk [tilespmem:v43+s12+$0x0], $0xffff;
	_ =	sdelay $0x1  }
0xa4: {  	s19 =	sand.u32 $0x7F, s31  }
0xa5: {  	s20 =	sshra.s32 s31, $0x1F;
	p5 =	slt.s32 s31, $0x1;
	p6 =	sne.s32 s19, $0x0  }
0xa6: {  	s21 =	sshrl.u32 s20, $0x19;
	p0 =	por !p5, !p6  }
0xa7: {  	p0 =	por !p0, !p0;
	s16 =	simm.s32 $0x1;
	s15 =	sadd.s32 s21, s31;
	[tilespmem:$0x10360] =	vst v32  }
0xa8: {  	s16 =	simm.s32 @!p0 $0x0;
	s15 =	sshra.s32 s15, $0x7;
	v32 =	vld.idx.msk [tilespmem:v44+s12+$0x0], $0xffff  }
0xa9: {  	s16 =	ssub.s32 s15, s16  }
0xaa: {  	s15 =	sshll.u32 s16, $0xA  }
0xab: {  	s15 =	sadd.s32 s6, s15  }
0xac: {  	s22 =	sshrl.u32 s15, $0x3  }
0xad: {  	s17 =	sadd.s32 s2, s22;
	[tilespmem:$0x10370] =	vst v32  }
0xae: {  	[tilespmem:s12], [sflag:$0x1] =	stream.strided.gather [hbm4b:s17+s10], $0x8000, s11, s10, $0x38;
	[tilespmem:$0x10880] =	vst v63  }
0xaf: {  	_ =	swait.ge [sflag:s9], $0x8000  }
0xb0: {  	[sflag:s9] =	ssyncset.done $0x0  }
0xb1: {  	[sflag:s9] =	ssyncadd.s32 $0xFFFF8000  }
0xb2: {  	v16 =	vld.idx.msk [tilespmem:v16+s13+$0x0], $0xffff;
	_ =	sdelay $0x4  }
0xb3: {  	[tilespmem:$0x10380] =	vst v16  }
0xb4: {  	v16 =	vld.idx.msk [tilespmem:v17+s13+$0x0], $0xffff;
	_ =	sdelay $0x4  }
0xb5: {  	[tilespmem:$0x10390] =	vst v16  }
0xb6: {  	v16 =	vld.idx.msk [tilespmem:v59+s13+$0x0], $0xffff;
	_ =	sdelay $0x4  }
0xb7: {  	[tilespmem:$0x103A0] =	vst v16  }
0xb8: {  	v16 =	vld.idx.msk [tilespmem:v60+s13+$0x0], $0xffff;
	_ =	sdelay $0x4  }
0xb9: {  	[tilespmem:$0x103B0] =	vst v16  }
0xba: {  	v16 =	vld.idx.msk [tilespmem:v61+s13+$0x0], $0xffff;
	_ =	sdelay $0x4  }
0xbb: {  	[tilespmem:$0x103C0] =	vst v16  }
0xbc: {  	v16 =	vld.idx.msk [tilespmem:v62+s13+$0x0], $0xffff;
	_ =	sdelay $0x4  }
0xbd: {  	[tilespmem:$0x103D0] =	vst v16  }
0xbe: {  	v16 =	vld.idx.msk [tilespmem:v63+s13+$0x0], $0xffff;
	_ =	sdelay $0x4  }
0xbf: {  	[tilespmem:$0x103E0] =	vst v16  }
0xc0: {  	v16 =	vld.idx.msk [tilespmem:v36+s13+$0x0], $0xffff;
	_ =	sdelay $0x4  }
0xc1: {  	[tilespmem:$0x103F0] =	vst v16  }
0xc2: {  	v16 =	vld.idx.msk [tilespmem:v37+s13+$0x0], $0xffff;
	_ =	sdelay $0x4  }
0xc3: {  	[tilespmem:$0x10400] =	vst v16  }
0xc4: {  	v16 =	vld.idx.msk [tilespmem:v38+s13+$0x0], $0xffff;
	_ =	sdelay $0x4  }
0xc5: {  	[tilespmem:$0x10410] =	vst v16  }
0xc6: {  	v16 =	vld.idx.msk [tilespmem:v39+s13+$0x0], $0xffff;
	_ =	sdelay $0x4  }
0xc7: {  	[tilespmem:$0x10420] =	vst v16  }
0xc8: {  	v16 =	vld.idx.msk [tilespmem:v40+s13+$0x0], $0xffff;
	_ =	sdelay $0x4  }
0xc9: {  	[tilespmem:$0x10430] =	vst v16  }
0xca: {  	v16 =	vld.idx.msk [tilespmem:v41+s13+$0x0], $0xffff;
	_ =	sdelay $0x4  }
0xcb: {  	[tilespmem:$0x10440] =	vst v16  }
0xcc: {  	v16 =	vld.idx.msk [tilespmem:v42+s13+$0x0], $0xffff;
	_ =	sdelay $0x4  }
0xcd: {  	[tilespmem:$0x10450] =	vst v16  }
0xce: {  	v16 =	vld.idx.msk [tilespmem:v43+s13+$0x0], $0xffff;
	_ =	sdelay $0x4  }
0xcf: {  	[tilespmem:$0x10460] =	vst v16  }
0xd0: {  	v16 =	vld.idx.msk [tilespmem:v44+s13+$0x0], $0xffff;
	_ =	sdelay $0x2  }
0xd1: {  	s16 =	sshll.u32 s16, $0x7;
	s23 =	sadd.s32 $0x80000, s15  }
0xd2: {  	s14 =	ssub.s32 s31, s16;
	s24 =	sshrl.u32 s23, $0x3  }
0xd3: {  	s16 =	sadd.s32 s2, s24;
	[tilespmem:$0x10470] =	vst v16;
	v16 =	vadd.s32 s14, v0  }
0xd4: {  	[tilespmem:s13], [sflag:$0x1] =	stream.strided.gather [hbm4b:s16+s10], $0x8000, s11, s10, $0x38;
	[tilespmem:$0x10880] =	vst v63  }
0xd5: {  	_ =	swait.ge [sflag:s9], $0x8000  }
0xd6: {  	[sflag:s9] =	ssyncset.done $0x0  }
0xd7: {  	[sflag:s9] =	ssyncadd.s32 $0xFFFF8000  }
0xd8: {  	v47 =	vld.idx.msk [tilespmem:v16+s12+$0x0], $0xffff  }
0xd9: {  	v17 =	vadd.s32 s14, v1;
	_ =	sdelay $0x3  }
0xda: {  	[tilespmem:$0x10480] =	vst v47  }
0xdb: {  	v18 =	vld.idx.msk [tilespmem:v17+s12+$0x0], $0xffff  }
0xdc: {  	v48 =	vadd.s32 s14, v2;
	_ =	sdelay $0x3  }
0xdd: {  	[tilespmem:$0x10490] =	vst v18  }
0xde: {  	v18 =	vld.idx.msk [tilespmem:v48+s12+$0x0], $0xffff  }
0xdf: {  	v49 =	vadd.s32 s14, v3;
	_ =	sdelay $0x3  }
0xe0: {  	[tilespmem:$0x104A0] =	vst v18  }
0xe1: {  	v18 =	vld.idx.msk [tilespmem:v49+s12+$0x0], $0xffff  }
0xe2: {  	v50 =	vadd.s32 s14, v4;
	_ =	sdelay $0x3  }
0xe3: {  	[tilespmem:$0x104B0] =	vst v18  }
0xe4: {  	v18 =	vld.idx.msk [tilespmem:v50+s12+$0x0], $0xffff  }
0xe5: {  	v51 =	vadd.s32 s14, v5;
	_ =	sdelay $0x3  }
0xe6: {  	[tilespmem:$0x104C0] =	vst v18  }
0xe7: {  	v18 =	vld.idx.msk [tilespmem:v51+s12+$0x0], $0xffff  }
0xe8: {  	v52 =	vadd.s32 s14, v6;
	_ =	sdelay $0x3  }
0xe9: {  	[tilespmem:$0x104D0] =	vst v18  }
0xea: {  	v18 =	vld.idx.msk [tilespmem:v52+s12+$0x0], $0xffff  }
0xeb: {  	v53 =	vadd.s32 s14, v7;
	_ =	sdelay $0x3  }
0xec: {  	[tilespmem:$0x104E0] =	vst v18  }
0xed: {  	v18 =	vld.idx.msk [tilespmem:v53+s12+$0x0], $0xffff  }
0xee: {  	v54 =	vadd.s32 s14, v8;
	_ =	sdelay $0x3  }
0xef: {  	[tilespmem:$0x104F0] =	vst v18  }
0xf0: {  	v18 =	vld.idx.msk [tilespmem:v54+s12+$0x0], $0xffff  }
0xf1: {  	v55 =	vadd.s32 s14, v9;
	_ =	sdelay $0x3  }
0xf2: {  	[tilespmem:$0x10500] =	vst v18  }
0xf3: {  	v18 =	vld.idx.msk [tilespmem:v55+s12+$0x0], $0xffff  }
0xf4: {  	v56 =	vadd.s32 s14, v10;
	_ =	sdelay $0x3  }
0xf5: {  	[tilespmem:$0x10510] =	vst v18  }
0xf6: {  	v18 =	vld.idx.msk [tilespmem:v56+s12+$0x0], $0xffff  }
0xf7: {  	v57 =	vadd.s32 s14, v11;
	_ =	sdelay $0x3  }
0xf8: {  	[tilespmem:$0x10520] =	vst v18  }
0xf9: {  	v18 =	vld.idx.msk [tilespmem:v57+s12+$0x0], $0xffff  }
0xfa: {  	v58 =	vadd.s32 s14, v12;
	_ =	sdelay $0x3  }
0xfb: {  	[tilespmem:$0x10530] =	vst v18  }
0xfc: {  	v18 =	vld.idx.msk [tilespmem:v58+s12+$0x0], $0xffff  }
0xfd: {  	v59 =	vadd.s32 s14, v13;
	_ =	sdelay $0x3  }
0xfe: {  	[tilespmem:$0x10540] =	vst v18  }
0xff: {  	v18 =	vld.idx.msk [tilespmem:v59+s12+$0x0], $0xffff  }
0x100: {  	v60 =	vadd.s32 s14, v14;
	_ =	sdelay $0x3  }
0x101: {  	[tilespmem:$0x10550] =	vst v18  }
0x102: {  	v18 =	vld.idx.msk [tilespmem:v60+s12+$0x0], $0xffff  }
0x103: {  	v61 =	vadd.s32 s14, v15;
	_ =	sdelay $0x3  }
0x104: {  	[tilespmem:$0x10560] =	vst v18  }
0x105: {  	v18 =	vld.idx.msk [tilespmem:v61+s12+$0x0], $0xffff;
	_ =	sdelay $0x2  }
0x106: {  	s25 =	sadd.s32 $0x100000, s15  }
0x107: {  	s14 =	sshrl.u32 s25, $0x3  }
0x108: {  	s14 =	sadd.s32 s2, s14;
	[tilespmem:$0x10570] =	vst v18  }
0x109: {  	[tilespmem:s12], [sflag:$0x1] =	stream.strided.gather [hbm4b:s14+s10], $0x8000, s11, s10, $0x38;
	[tilespmem:$0x10880] =	vst v63  }
0x10a: {  	_ =	swait.ge [sflag:s9], $0x8000  }
0x10b: {  	[sflag:s9] =	ssyncset.done $0x0  }
0x10c: {  	[sflag:s9] =	ssyncadd.s32 $0xFFFF8000  }
0x10d: {  	v62 =	vld.idx.msk [tilespmem:v16+s13+$0x0], $0xffff;
	_ =	sdelay $0x4  }
0x10e: {  	[tilespmem:$0x10580] =	vst v62  }
0x10f: {  	v18 =	vld.idx.msk [tilespmem:v17+s13+$0x0], $0xffff;
	_ =	sdelay $0x4  }
0x110: {  	[tilespmem:$0x10590] =	vst v18  }
0x111: {  	v18 =	vld.idx.msk [tilespmem:v48+s13+$0x0], $0xffff;
	_ =	sdelay $0x4  }
0x112: {  	[tilespmem:$0x105A0] =	vst v18  }
0x113: {  	v18 =	vld.idx.msk [tilespmem:v49+s13+$0x0], $0xffff;
	_ =	sdelay $0x4  }
0x114: {  	[tilespmem:$0x105B0] =	vst v18  }
0x115: {  	v18 =	vld.idx.msk [tilespmem:v50+s13+$0x0], $0xffff;
	_ =	sdelay $0x4  }
0x116: {  	[tilespmem:$0x105C0] =	vst v18  }
0x117: {  	v18 =	vld.idx.msk [tilespmem:v51+s13+$0x0], $0xffff;
	_ =	sdelay $0x4  }
0x118: {  	[tilespmem:$0x105D0] =	vst v18  }
0x119: {  	v18 =	vld.idx.msk [tilespmem:v52+s13+$0x0], $0xffff;
	_ =	sdelay $0x4  }
0x11a: {  	[tilespmem:$0x105E0] =	vst v18  }
0x11b: {  	v18 =	vld.idx.msk [tilespmem:v53+s13+$0x0], $0xffff;
	_ =	sdelay $0x4  }
0x11c: {  	[tilespmem:$0x105F0] =	vst v18  }
0x11d: {  	v18 =	vld.idx.msk [tilespmem:v54+s13+$0x0], $0xffff;
	_ =	sdelay $0x4  }
0x11e: {  	[tilespmem:$0x10600] =	vst v18  }
0x11f: {  	v18 =	vld.idx.msk [tilespmem:v55+s13+$0x0], $0xffff;
	_ =	sdelay $0x4  }
0x120: {  	[tilespmem:$0x10610] =	vst v18  }
0x121: {  	v18 =	vld.idx.msk [tilespmem:v56+s13+$0x0], $0xffff;
	_ =	sdelay $0x4  }
0x122: {  	[tilespmem:$0x10620] =	vst v18  }
0x123: {  	v18 =	vld.idx.msk [tilespmem:v57+s13+$0x0], $0xffff;
	_ =	sdelay $0x4  }
0x124: {  	[tilespmem:$0x10630] =	vst v18  }
0x125: {  	v18 =	vld.idx.msk [tilespmem:v58+s13+$0x0], $0xffff;
	_ =	sdelay $0x4  }
0x126: {  	[tilespmem:$0x10640] =	vst v18  }
0x127: {  	v18 =	vld.idx.msk [tilespmem:v59+s13+$0x0], $0xffff;
	_ =	sdelay $0x4  }
0x128: {  	[tilespmem:$0x10650] =	vst v18  }
0x129: {  	v18 =	vld.idx.msk [tilespmem:v60+s13+$0x0], $0xffff;
	_ =	sdelay $0x4  }
0x12a: {  	[tilespmem:$0x10660] =	vst v18  }
0x12b: {  	v18 =	vld.idx.msk [tilespmem:v61+s13+$0x0], $0xffff;
	_ =	sdelay $0x2  }
0x12c: {  	s26 =	sadd.s32 $0x180000, s15  }
0x12d: {  	s14 =	sshrl.u32 s26, $0x3  }
0x12e: {  	s14 =	sadd.s32 s2, s14;
	[tilespmem:$0x10670] =	vst v18  }
0x12f: {  	[tilespmem:s13], [sflag:$0x1] =	stream.strided.gather [hbm4b:s14+s10], $0x8000, s11, s10, $0x38;
	[tilespmem:$0x10880] =	vst v63  }
0x130: {  	_ =	swait.ge [sflag:s9], $0x8000  }
0x131: {  	[sflag:s9] =	ssyncset.done $0x0  }
0x132: {  	[sflag:s9] =	ssyncadd.s32 $0xFFFF8000  }
0x133: {  	v63 =	vld.idx.msk [tilespmem:v16+s12+$0x0], $0xffff;
	_ =	sdelay $0x4  }
0x134: {  	[tilespmem:$0x10680] =	vst v63  }
0x135: {  	v18 =	vld.idx.msk [tilespmem:v17+s12+$0x0], $0xffff;
	_ =	sdelay $0x4  }
0x136: {  	[tilespmem:$0x10690] =	vst v18  }
0x137: {  	v18 =	vld.idx.msk [tilespmem:v48+s12+$0x0], $0xffff;
	_ =	sdelay $0x4  }
0x138: {  	[tilespmem:$0x106A0] =	vst v18  }
0x139: {  	v18 =	vld.idx.msk [tilespmem:v49+s12+$0x0], $0xffff;
	_ =	sdelay $0x4  }
0x13a: {  	[tilespmem:$0x106B0] =	vst v18  }
0x13b: {  	v18 =	vld.idx.msk [tilespmem:v50+s12+$0x0], $0xffff;
	_ =	sdelay $0x4  }
0x13c: {  	[tilespmem:$0x106C0] =	vst v18  }
0x13d: {  	v18 =	vld.idx.msk [tilespmem:v51+s12+$0x0], $0xffff;
	_ =	sdelay $0x4  }
0x13e: {  	[tilespmem:$0x106D0] =	vst v18  }
0x13f: {  	v18 =	vld.idx.msk [tilespmem:v52+s12+$0x0], $0xffff;
	_ =	sdelay $0x4  }
0x140: {  	[tilespmem:$0x106E0] =	vst v18  }
0x141: {  	v18 =	vld.idx.msk [tilespmem:v53+s12+$0x0], $0xffff;
	_ =	sdelay $0x4  }
0x142: {  	[tilespmem:$0x106F0] =	vst v18  }
0x143: {  	v18 =	vld.idx.msk [tilespmem:v54+s12+$0x0], $0xffff;
	_ =	sdelay $0x4  }
0x144: {  	[tilespmem:$0x10700] =	vst v18  }
0x145: {  	v18 =	vld.idx.msk [tilespmem:v55+s12+$0x0], $0xffff;
	_ =	sdelay $0x4  }
0x146: {  	[tilespmem:$0x10710] =	vst v18  }
0x147: {  	v18 =	vld.idx.msk [tilespmem:v56+s12+$0x0], $0xffff;
	_ =	sdelay $0x4  }
0x148: {  	[tilespmem:$0x10720] =	vst v18  }
0x149: {  	v18 =	vld.idx.msk [tilespmem:v57+s12+$0x0], $0xffff;
	_ =	sdelay $0x4  }
0x14a: {  	[tilespmem:$0x10730] =	vst v18  }
0x14b: {  	v18 =	vld.idx.msk [tilespmem:v58+s12+$0x0], $0xffff;
	_ =	sdelay $0x4  }
0x14c: {  	[tilespmem:$0x10740] =	vst v18  }
0x14d: {  	v18 =	vld.idx.msk [tilespmem:v59+s12+$0x0], $0xffff;
	_ =	sdelay $0x4  }
0x14e: {  	[tilespmem:$0x10750] =	vst v18  }
0x14f: {  	v18 =	vld.idx.msk [tilespmem:v60+s12+$0x0], $0xffff;
	_ =	sdelay $0x4  }
0x150: {  	[tilespmem:$0x10760] =	vst v18  }
0x151: {  	v18 =	vld.idx.msk [tilespmem:v61+s12+$0x0], $0xffff;
	_ =	sdelay $0x4  }
0x152: {  	[tilespmem:$0x10770] =	vst v18  }
0x153: {  	_ =	swait.ge [sflag:s9], $0x8000  }
0x154: {  	[sflag:s9] =	ssyncset.done $0x0  }
0x155: {  	[sflag:s9] =	ssyncadd.s32 $0xFFFF8000  }
0x156: {  	v16 =	vld.idx.msk [tilespmem:v16+s13+$0x0], $0xffff;
	_ =	sdelay $0x4  }
0x157: {  	[tilespmem:$0x10780] =	vst v16  }
0x158: {  	v16 =	vld.idx.msk [tilespmem:v17+s13+$0x0], $0xffff;
	_ =	sdelay $0x4  }
0x159: {  	[tilespmem:$0x10790] =	vst v16  }
0x15a: {  	v16 =	vld.idx.msk [tilespmem:v48+s13+$0x0], $0xffff;
	_ =	sdelay $0x4  }
0x15b: {  	[tilespmem:$0x107A0] =	vst v16  }
0x15c: {  	v16 =	vld.idx.msk [tilespmem:v49+s13+$0x0], $0xffff;
	_ =	sdelay $0x4  }
0x15d: {  	[tilespmem:$0x107B0] =	vst v16  }
0x15e: {  	v16 =	vld.idx.msk [tilespmem:v50+s13+$0x0], $0xffff;
	_ =	sdelay $0x4  }
0x15f: {  	[tilespmem:$0x107C0] =	vst v16  }
0x160: {  	v16 =	vld.idx.msk [tilespmem:v51+s13+$0x0], $0xffff;
	_ =	sdelay $0x4  }
0x161: {  	[tilespmem:$0x107D0] =	vst v16  }
0x162: {  	v16 =	vld.idx.msk [tilespmem:v52+s13+$0x0], $0xffff;
	_ =	sdelay $0x4  }
0x163: {  	[tilespmem:$0x107E0] =	vst v16  }
0x164: {  	v16 =	vld.idx.msk [tilespmem:v53+s13+$0x0], $0xffff;
	_ =	sdelay $0x4  }
0x165: {  	[tilespmem:$0x107F0] =	vst v16  }
0x166: {  	v16 =	vld.idx.msk [tilespmem:v54+s13+$0x0], $0xffff;
	_ =	sdelay $0x4  }
0x167: {  	[tilespmem:$0x10800] =	vst v16  }
0x168: {  	v16 =	vld.idx.msk [tilespmem:v55+s13+$0x0], $0xffff;
	_ =	sdelay $0x4  }
0x169: {  	[tilespmem:$0x10810] =	vst v16  }
0x16a: {  	v16 =	vld.idx.msk [tilespmem:v56+s13+$0x0], $0xffff;
	_ =	sdelay $0x4  }
0x16b: {  	[tilespmem:$0x10820] =	vst v16  }
0x16c: {  	v16 =	vld.idx.msk [tilespmem:v57+s13+$0x0], $0xffff;
	_ =	sdelay $0x4  }
0x16d: {  	[tilespmem:$0x10830] =	vst v16  }
0x16e: {  	v16 =	vld.idx.msk [tilespmem:v58+s13+$0x0], $0xffff;
	_ =	sdelay $0x4  }
0x16f: {  	[tilespmem:$0x10840] =	vst v16  }
0x170: {  	v16 =	vld.idx.msk [tilespmem:v59+s13+$0x0], $0xffff;
	_ =	sdelay $0x4  }
0x171: {  	[tilespmem:$0x10850] =	vst v16  }
0x172: {  	v16 =	vld.idx.msk [tilespmem:v60+s13+$0x0], $0xffff;
	_ =	sdelay $0x4  }
0x173: {  	[tilespmem:$0x10860] =	vst v16  }
0x174: {  	v16 =	vld.idx.msk [tilespmem:v61+s13+$0x0], $0xffff;
	_ =	sdelay $0x3  }
0x175: {  	s28 =	rddreg [dreg:$0x7]  }
0x176: {  	s29 =	rddreg [dreg:$0x8];
	[tilespmem:$0x10870] =	vst v16  }
0x177: {  	[hbm4b:s28+s12] =	stream.strided.scatter [tilespmem:s29], [sflag:$0x2], $0x400, s10, s12, $0x38;
	[tilespmem:$0x10880] =	vst v63  }
0x178: {  	_ =	swait.ge [sflag:s8], $0x400  }
0x179: {  	p0 =	sne.s32 s7, $0x1;
	s30 =	rddreg [dreg:$0x9];
	[sflag:s8] =	ssyncset.done $0x0  }
.Ltmp0:
0x17a: {  	s31 =	rddreg [dreg:$0xa];
	[sflag:s8] =	ssyncadd.s32 $0xFFFFFC00;
	(pc) =	sbr.rel @p0 .LBB2_1-.Ltmp0, $4  }
0x17b: {  	[hbm4b:s30+s12] =	stream.strided.scatter [tilespmem:s31], [sflag:$0x2], $0x400, s10, s12, $0x38;
	[tilespmem:$0x10880] =	vst v63  }
0x17c: {  	_ =	swait.ge [sflag:s8], $0x400  }
0x17d: {  	[sflag:s8] =	ssyncset.done $0x0  }
0x17e: {  	s7 =	sadd.s32 $0xFFFFFFFF, s7;
	[sflag:s8] =	ssyncadd.s32 $0xFFFFFC00  }
0x17f: {  	_ =	sfence.sel $0x180000  }
0x180: {  	[bflag:$0x0] =	sbarrier.arrive $0xFFFF  }
0x181: {  	p0 =	sne.s32 s1, $0x0;
	_ =	strace $0x90000047  }
0x182: {  	s0 =	sadd.s32 @!p0 $0x100000, s3;
	[bflag:$0x2] =	sbarrier.arrive $0xFFFF  }
0x183: {  	[sflag:s0] =	ssyncadd.tile.s32 @!p0 $0x1;
	_ =	shalt  }
.Lfunc_end2:
_tile_overlayer_lowered:
.L_overlay_start_2:
0x184: {  	(tag) =	ssettag $0x2  }
0x185: {  	s0 =	rddreg [dreg:$0x0];
	s2 =	stileid.u32  }
0x186: {  	s1 =	rddreg [dreg:$0x1];
	p0 =	sne.s32 s2, $0x0  }
0x187: {  	s3 =	rddreg [dreg:$0x2];
	[bflag:$0x3] =	sbarrier.arrive $0xFFFF;
	s2 =	simm.s32 @!p0 $0x1C02  }
0x188: {  	[timem:s3], [sflag:s2] =	dma.local @!p0 [hbm:s0], s1  }
0x189: {  	s0 =	simm.s32 @!p0 $0x2  }
0x18a: {  	_ =	swait.ge @!p0 [sflag:s0], s1  }
0x18b: {  	s1 =	ssub.s32 @!p0 $0x0, s1;
	[sflag:s0] =	ssyncset.done @!p0 $0x0  }
0x18c: {  	[sflag:s0] =	ssyncadd.s32 @!p0 s1  }
0x18d: {  	[bflag:$0x3] =	sbarrier.arrive $0xFFFF  }
0x18e: {  	_ =	shalt  }

</sc_bundles>
